<compile_context>
chip_gen: v7x
topology: tpu7x:2x2x1
jax: 0.10.2.dev20260603
libtpu: 0.0.44.dev20260713+nightly
codegen_flags: <defaults>
</compile_context>

<pallas_src>
import jax
import jax.numpy as jnp
from jax import lax
from jax.experimental import pallas as pl
from jax.experimental.pallas import tpu as pltpu
from jax.experimental.pallas import tpu_sc as plsc

NC = 2
NS = 16
NW = NC * NS
CW = 8


def _sc_aggregate(x, edge_index, n_pad):
  e = edge_index.shape[1]
  d = x.shape[1]
  assert e % NW == 0
  e_per_w = e // NW
  C = 80
  assert e_per_w % C == 0
  nchunks = e_per_w // C
  rows_per_sub = n_pad // NS
  NB = 4
  eiw = edge_index.reshape(2, NW * nchunks, C).transpose(1, 0, 2)

  zeros_blk = jnp.zeros((rows_per_sub, d), jnp.float32)
  zeros_cnt = jnp.zeros((rows_per_sub, CW), jnp.float32)
  ones_blk = jnp.ones((C, CW), jnp.float32)

  mesh = plsc.VectorSubcoreMesh(core_axis_name="c", subcore_axis_name="s",
                                num_cores=NC, num_subcores=NS)

  assert nchunks > 2 * NB and (nchunks - NB - 1) % NB == 0
  loop_iters = (nchunks - NB - 1) // NB

  def body(x_hbm, ei_hbm, zf_hbm, zc_hbm, ones_hbm,
           sum_out, cnt0_out, cnt1_out, acc, cnt_sh, ones_v, *bufs):
    cid = lax.axis_index("c")
    sid = lax.axis_index("s")
    wid = cid * NS + sid
    base_n = sid * rows_per_sub
    base_c = wid * nchunks
    ivs, rvs, gs, ss, isems = (bufs[0:NB], bufs[NB:2 * NB],
                               bufs[2 * NB:3 * NB], bufs[3 * NB:4 * NB],
                               bufs[4 * NB:5 * NB])

    def start_idx(i, b):
      pltpu.async_copy(ei_hbm.at[base_c + i], ivs[b], isems[b])

    def wait_idx(i, b):
      pltpu.make_async_copy(ei_hbm.at[base_c + i], ivs[b], isems[b]).wait()

    def start_gather(b):
      pltpu.async_copy(x_hbm.at[ivs[b].at[0]], rvs[b], gs[b])

    def wait_gather(b):
      pltpu.make_async_copy(x_hbm.at[ivs[b].at[0]], rvs[b], gs[b]).wait()

    def start_scatter(b):
      pltpu.async_copy(rvs[b], acc.at[ivs[b].at[1]], ss[b], add=True)
      pltpu.async_copy(ones_v, cnt_sh.at[ivs[b].at[1]], ss[b], add=True)

    def wait_scatter(b):
      pltpu.make_async_copy(rvs[b], acc.at[ivs[b].at[1]], ss[b]).wait()
      pltpu.make_async_copy(ones_v, cnt_sh.at[ivs[b].at[1]], ss[b]).wait()

    pltpu.sync_copy(ones_hbm, ones_v)
    for b in range(NB - 1):
      start_idx(b, b)
    pltpu.sync_copy(zf_hbm, acc.at[pl.ds(base_n, rows_per_sub)])
    pltpu.sync_copy(zc_hbm, cnt_sh.at[pl.ds(base_n, rows_per_sub)])
    wait_idx(0, 0)
    start_gather(0)
    wait_idx(1, 1)
    start_gather(1)
    plsc.subcore_barrier()
    wait_gather(0)
    start_scatter(0)
    start_idx(3, 3)
    wait_idx(2, 2)
    start_gather(2)

    def slot(i, b):
      bn = (b + 1) % NB
      wait_scatter(bn)
      start_idx(i + 1, bn)
      wait_idx(i, b)
      start_gather(b)
      wait_gather((b - 2) % NB)
      start_scatter((b - 2) % NB)

    def slot_group(k, carry):
      i0 = 3 + NB * k
      for j in range(NB):
        slot(i0 + j, (3 + j) % NB)
      return carry

    lax.fori_loop(0, loop_iters, slot_group, 0)
    i = nchunks - 2
    b = i % NB
    wait_scatter((b + 1) % NB)
    start_idx(i + 1, (b + 1) % NB)
    wait_idx(i, b)
    start_gather(b)
    wait_gather((b - 2) % NB)
    start_scatter((b - 2) % NB)
    i = nchunks - 1
    b = i % NB
    wait_scatter((b + 1) % NB)
    wait_idx(i, b)
    start_gather(b)
    wait_gather((b - 2) % NB)
    start_scatter((b - 2) % NB)
    wait_gather((b - 1) % NB)
    start_scatter((b - 1) % NB)
    wait_gather(b)
    start_scatter(b)
    for bb in ((b - 2) % NB, (b - 1) % NB, b):
      wait_scatter(bb)
    plsc.subcore_barrier()
    pltpu.sync_copy(acc.at[pl.ds(base_n, rows_per_sub)],
                    sum_out.at[cid, pl.ds(base_n, rows_per_sub)])

    @pl.when(cid == 0)
    def _():
      pltpu.sync_copy(cnt_sh.at[pl.ds(base_n, rows_per_sub)],
                      cnt0_out.at[pl.ds(base_n, rows_per_sub)])

    @pl.when(cid == 1)
    def _():
      pltpu.sync_copy(cnt_sh.at[pl.ds(base_n, rows_per_sub)],
                      cnt1_out.at[pl.ds(base_n, rows_per_sub)])

  call = pl.kernel(
      body,
      out_type=(
          jax.ShapeDtypeStruct((NC, n_pad, d), jnp.float32),
          jax.ShapeDtypeStruct((n_pad, CW), jnp.float32),
          jax.ShapeDtypeStruct((n_pad, CW), jnp.float32),
      ),
      mesh=mesh,
      scratch_types=(
          [
              pltpu.VMEM_SHARED((n_pad, d), jnp.float32),
              pltpu.VMEM_SHARED((n_pad, CW), jnp.float32),
              pltpu.VMEM((C, CW), jnp.float32),
          ]
          + [pltpu.VMEM((2, C), jnp.int32) for _ in range(NB)]
          + [pltpu.VMEM((C, d), jnp.float32) for _ in range(NB)]
          + [pltpu.SemaphoreType.DMA for _ in range(3 * NB)]
      ),
      compiler_params=pltpu.CompilerParams(use_tc_tiling_on_sc=False),
  )
  return call(x, eiw, zeros_blk, zeros_cnt, ones_blk)


def _tc_mlp(x, sums, cnt0, cnt1, W_l, W_r, W1, W2, W3, b_l, b1, b2, b3):
  n, d = x.shape
  out_dim = W3.shape[0]
  R = 1000
  assert n % R == 0
  grid = n // R
  dn = (((1,), (1,)), ((), ()))

  def body(xb, s0b, s1b, c0b, c1b, wl, wr, w1, w2, w3,
           bl, bb1, bb2, bb3, ob):
    summed = s0b[0] + s1b[0]
    counts = c0b[:, :1] + c1b[:, :1]
    mean = summed / jnp.maximum(counts, 1.0)
    f32 = jnp.float32
    h = (lax.dot_general(mean, wl[...], dn, preferred_element_type=f32)
         + lax.dot_general(xb[...], wr[...], dn, preferred_element_type=f32)
         + bl[...])
    h1 = jnp.maximum(
        lax.dot_general(h, w1[...], dn, preferred_element_type=f32)
        + bb1[...], 0.0)
    h2 = jnp.maximum(
        lax.dot_general(h1, w2[...], dn, preferred_element_type=f32)
        + bb2[...], 0.0)
    ob[...] = (lax.dot_general(h2, w3[...], dn, preferred_element_type=f32)
               + bb3[...])

  row_spec = lambda c: pl.BlockSpec((R, c), lambda i: (i, 0))
  sum_spec = lambda k: pl.BlockSpec((1, R, d), lambda i, _k=k: (_k, i, 0))
  full_spec = lambda r, c: pl.BlockSpec((r, c), lambda i: (0, 0))
  return pl.pallas_call(
      body,
      grid=(grid,),
      in_specs=[
          row_spec(d), sum_spec(0), sum_spec(1), row_spec(CW), row_spec(CW),
          full_spec(*W_l.shape), full_spec(*W_r.shape),
          full_spec(*W1.shape), full_spec(*W2.shape), full_spec(*W3.shape),
          full_spec(*b_l.shape), full_spec(*b1.shape),
          full_spec(*b2.shape), full_spec(*b3.shape),
      ],
      out_specs=row_spec(out_dim),
      out_shape=jax.ShapeDtypeStruct((n, out_dim), jnp.float32),
  )(x, sums, sums, cnt0, cnt1, W_l, W_r, W1, W2, W3, b_l, b1, b2, b3)


@jax.jit
def kernel(x, edge_index, W_l, b_l, W_r, W1, b1, W2, b2, W3, b3):
  n, d = x.shape
  n_pad = ((n + NS * 8 - 1) // (NS * 8)) * (NS * 8)
  sums, cnt0, cnt1 = _sc_aggregate(x, edge_index, n_pad)
  return _tc_mlp(
      x, sums, cnt0, cnt1, W_l, W_r, W1, W2, W3,
      b_l.reshape(1, -1), b1.reshape(1, -1), b2.reshape(1, -1),
      b3.reshape(1, -1))

# --- scband reference (transcript-rebuilt; emitter-appended) ---
"""Pipeline reference for scband-gnn-36893769072799 (READ-ONLY COPY).

The authoritative reference and input builder live on the scoring server;
editing this copy changes nothing except your own understanding.
"""

import jax, jax.numpy as jnp
import numpy as np

N, E, D, H, OUT = 10000, 320000, 128, 128, 16

def setup_inputs(seed: int = 0) -> dict:
    key = jax.random.key(seed)
    ks = jax.random.split(key, 12)
    x = jax.random.normal(ks[0], (N, D), dtype=jnp.float32)
    edge_index = jax.random.randint(ks[1], (2, E), 0, N, dtype=jnp.int32)
    # SAGEConv params (PyG: lin_l applied to aggregated neighbors w/ bias, lin_r applied to root, no bias)
    W_l = jax.random.normal(ks[2], (H, D), dtype=jnp.float32) * 0.05
    b_l = jnp.zeros((H,), dtype=jnp.float32)
    W_r = jax.random.normal(ks[3], (H, D), dtype=jnp.float32) * 0.05
    # Classifier: Linear(H,64) -> ReLU -> Linear(64,128) -> ReLU -> Linear(128,OUT)
    W1 = jax.random.normal(ks[4], (64, H), dtype=jnp.float32) * 0.05
    b1 = jnp.zeros((64,), dtype=jnp.float32)
    W2 = jax.random.normal(ks[5], (128, 64), dtype=jnp.float32) * 0.05
    b2 = jnp.zeros((128,), dtype=jnp.float32)
    W3 = jax.random.normal(ks[6], (OUT, 128), dtype=jnp.float32) * 0.05
    b3 = jnp.zeros((OUT,), dtype=jnp.float32)
    return {"x": x, "edge_index": edge_index, "W_l": W_l, "b_l": b_l, "W_r": W_r,
            "W1": W1, "b1": b1, "W2": W2, "b2": b2, "W3": W3, "b3": b3}

def reference(x, edge_index, W_l, b_l, W_r, W1, b1, W2, b2, W3, b3):
    src = edge_index[0]
    dst = edge_index[1]
    n = x.shape[0]
    # mean aggregation of neighbor (source) features into destination nodes
    msgs = x[src]
    summed = jax.ops.segment_sum(msgs, dst, num_segments=n)
    counts = jax.ops.segment_sum(jnp.ones((dst.shape[0],), dtype=x.dtype), dst, num_segments=n)
    mean = summed / jnp.maximum(counts, 1.0)[:, None]
    # SAGEConv: lin_l(aggr) + lin_r(x)
    h = mean @ W_l.T + b_l + x @ W_r.T
    # Classifier MLP
    h1 = jax.nn.relu(h @ W1.T + b1)
    h2 = jax.nn.relu(h1 @ W2.T + b2)
    out = h2 @ W3.T + b3
    return out

if __name__ == "__main__":
    import jax
    _d = setup_inputs()
    print(jax.jit(kernel)(*tuple(_d.values())))

</pallas_src>

<mosaic_0001>
#map = affine_map<(d0, d1) -> (0, 0)>
#map1 = affine_map<(d0, d1) -> (0, 0, 0)>
module attributes {stable_mosaic.version = 14 : i64} {
  func.func @body(%arg0: i32, %arg1: i32, %arg2: memref<10000x128xf32, #tpu.memory_space<hbm>>, %arg3: memref<4000x2x80xi32, #tpu.memory_space<hbm>>, %arg4: memref<632x128xf32, #tpu.memory_space<hbm>>, %arg5: memref<632x8xf32, #tpu.memory_space<hbm>>, %arg6: memref<80x8xf32, #tpu.memory_space<hbm>>, %arg7: memref<2x10112x128xf32, #tpu.memory_space<hbm>>, %arg8: memref<10112x8xf32, #tpu.memory_space<hbm>>, %arg9: memref<10112x8xf32, #tpu.memory_space<hbm>>, %arg10: memref<10112x128xf32, #tpu.memory_space<vmem_shared>>, %arg11: memref<10112x8xf32, #tpu.memory_space<vmem_shared>>, %arg12: memref<80x8xf32, #tpu.memory_space<vmem>>, %arg13: memref<2x80xi32, #tpu.memory_space<vmem>>, %arg14: memref<2x80xi32, #tpu.memory_space<vmem>>, %arg15: memref<2x80xi32, #tpu.memory_space<vmem>>, %arg16: memref<2x80xi32, #tpu.memory_space<vmem>>, %arg17: memref<80x128xf32, #tpu.memory_space<vmem>>, %arg18: memref<80x128xf32, #tpu.memory_space<vmem>>, %arg19: memref<80x128xf32, #tpu.memory_space<vmem>>, %arg20: memref<80x128xf32, #tpu.memory_space<vmem>>, %arg21: memref<!tpu.dma_semaphore, #tpu.memory_space<semaphore_mem>>, %arg22: memref<!tpu.dma_semaphore, #tpu.memory_space<semaphore_mem>>, %arg23: memref<!tpu.dma_semaphore, #tpu.memory_space<semaphore_mem>>, %arg24: memref<!tpu.dma_semaphore, #tpu.memory_space<semaphore_mem>>, %arg25: memref<!tpu.dma_semaphore, #tpu.memory_space<semaphore_mem>>, %arg26: memref<!tpu.dma_semaphore, #tpu.memory_space<semaphore_mem>>, %arg27: memref<!tpu.dma_semaphore, #tpu.memory_space<semaphore_mem>>, %arg28: memref<!tpu.dma_semaphore, #tpu.memory_space<semaphore_mem>>, %arg29: memref<!tpu.dma_semaphore, #tpu.memory_space<semaphore_mem>>, %arg30: memref<!tpu.dma_semaphore, #tpu.memory_space<semaphore_mem>>, %arg31: memref<!tpu.dma_semaphore, #tpu.memory_space<semaphore_mem>>, %arg32: memref<!tpu.dma_semaphore, #tpu.memory_space<semaphore_mem>>) attributes {dimension_semantics = [#tpu.dimension_semantics<core_parallel>, #tpu.dimension_semantics<subcore_parallel>], iteration_bounds = array<i64: 2, 16>, scalar_prefetch = 0 : i64, scratch_operands = 23 : i64, tpu.core_type = #tpu.core_type<sc_vector_subcore>, window_params = [{transform_indices = #map}, {transform_indices = #map1}, {transform_indices = #map}, {transform_indices = #map}, {transform_indices = #map}, {transform_indices = #map1}, {transform_indices = #map}, {transform_indices = #map}]} {
    %mul3A = arith.constant 16 : i32
    %mul3A_0 = arith.muli %arg0, %mul3A : i32
    %add3A = arith.addi %mul3A_0, %arg1 : i32
    %mul3A_1 = arith.constant 632 : i32
    %mul3A_2 = arith.muli %arg1, %mul3A_1 : i32
    %mul3A_3 = arith.constant 125 : i32
    %mul3A_4 = arith.muli %add3A, %mul3A_3 : i32
    "tpu.region"() ({
      %run_scoped3A = tpu.sem_alloc : memref<!tpu.dma_semaphore, #tpu.memory_space<semaphore_mem>>
      tpu.enqueue_dma source(%arg6 : memref<80x8xf32, #tpu.memory_space<hbm>>) target(%arg12 : memref<80x8xf32, #tpu.memory_space<vmem>>) target_semaphore(%run_scoped3A : memref<!tpu.dma_semaphore, #tpu.memory_space<semaphore_mem>>)
      tpu.wait_dma2 semaphore(%run_scoped3A : memref<!tpu.dma_semaphore, #tpu.memory_space<semaphore_mem>>) src(%arg6 : memref<80x8xf32, #tpu.memory_space<hbm>>) dst(%arg12 : memref<80x8xf32, #tpu.memory_space<vmem>>)
      tpu.yield
    }) : () -> ()
    %add3A_5 = arith.constant 0 : i32
    %add3A_6 = arith.addi %mul3A_4, %add3A_5 : i32
    %dma_start3A = arith.constant 0 : i32
    %dma_start3A_7 = arith.constant 0 : i32
    %dma_start3A_8 = tpu.memref_slice %arg3[%add3A_6, %dma_start3A, %dma_start3A_7] : memref<4000x2x80xi32, #tpu.memory_space<hbm>> -> memref<1x2x80xi32, #tpu.memory_space<hbm>>
    %dma_start3A_9 = tpu.memref_squeeze %dma_start3A_8 : memref<1x2x80xi32, #tpu.memory_space<hbm>> -> memref<2x80xi32, #tpu.memory_space<hbm>>
    %dma_start3A_10 = arith.constant 0 : i32
    %dma_start3A_11 = arith.constant 0 : i32
    %dma_start3A_12 = tpu.memref_slice %arg3[%add3A_6, %dma_start3A_10, %dma_start3A_11] : memref<4000x2x80xi32, #tpu.memory_space<hbm>> -> memref<1x2x80xi32, #tpu.memory_space<hbm>>
    %dma_start3A_13 = tpu.memref_squeeze %dma_start3A_12 : memref<1x2x80xi32, #tpu.memory_space<hbm>> -> memref<2x80xi32, #tpu.memory_space<hbm>>
    tpu.enqueue_dma source(%dma_start3A_13 : memref<2x80xi32, #tpu.memory_space<hbm>>) target(%arg13 : memref<2x80xi32, #tpu.memory_space<vmem>>) target_semaphore(%arg29 : memref<!tpu.dma_semaphore, #tpu.memory_space<semaphore_mem>>)
    %add3A_14 = arith.constant 1 : i32
    %add3A_15 = arith.addi %mul3A_4, %add3A_14 : i32
    %dma_start3A_16 = arith.constant 0 : i32
    %dma_start3A_17 = arith.constant 0 : i32
    %dma_start3A_18 = tpu.memref_slice %arg3[%add3A_15, %dma_start3A_16, %dma_start3A_17] : memref<4000x2x80xi32, #tpu.memory_space<hbm>> -> memref<1x2x80xi32, #tpu.memory_space<hbm>>
    %dma_start3A_19 = tpu.memref_squeeze %dma_start3A_18 : memref<1x2x80xi32, #tpu.memory_space<hbm>> -> memref<2x80xi32, #tpu.memory_space<hbm>>
    %dma_start3A_20 = arith.constant 0 : i32
    %dma_start3A_21 = arith.constant 0 : i32
    %dma_start3A_22 = tpu.memref_slice %arg3[%add3A_15, %dma_start3A_20, %dma_start3A_21] : memref<4000x2x80xi32, #tpu.memory_space<hbm>> -> memref<1x2x80xi32, #tpu.memory_space<hbm>>
    %dma_start3A_23 = tpu.memref_squeeze %dma_start3A_22 : memref<1x2x80xi32, #tpu.memory_space<hbm>> -> memref<2x80xi32, #tpu.memory_space<hbm>>
    tpu.enqueue_dma source(%dma_start3A_23 : memref<2x80xi32, #tpu.memory_space<hbm>>) target(%arg14 : memref<2x80xi32, #tpu.memory_space<vmem>>) target_semaphore(%arg30 : memref<!tpu.dma_semaphore, #tpu.memory_space<semaphore_mem>>)
    %add3A_24 = arith.constant 2 : i32
    %add3A_25 = arith.addi %mul3A_4, %add3A_24 : i32
    %dma_start3A_26 = arith.constant 0 : i32
    %dma_start3A_27 = arith.constant 0 : i32
    %dma_start3A_28 = tpu.memref_slice %arg3[%add3A_25, %dma_start3A_26, %dma_start3A_27] : memref<4000x2x80xi32, #tpu.memory_space<hbm>> -> memref<1x2x80xi32, #tpu.memory_space<hbm>>
    %dma_start3A_29 = tpu.memref_squeeze %dma_start3A_28 : memref<1x2x80xi32, #tpu.memory_space<hbm>> -> memref<2x80xi32, #tpu.memory_space<hbm>>
    %dma_start3A_30 = arith.constant 0 : i32
    %dma_start3A_31 = arith.constant 0 : i32
    %dma_start3A_32 = tpu.memref_slice %arg3[%add3A_25, %dma_start3A_30, %dma_start3A_31] : memref<4000x2x80xi32, #tpu.memory_space<hbm>> -> memref<1x2x80xi32, #tpu.memory_space<hbm>>
    %dma_start3A_33 = tpu.memref_squeeze %dma_start3A_32 : memref<1x2x80xi32, #tpu.memory_space<hbm>> -> memref<2x80xi32, #tpu.memory_space<hbm>>
    tpu.enqueue_dma source(%dma_start3A_33 : memref<2x80xi32, #tpu.memory_space<hbm>>) target(%arg15 : memref<2x80xi32, #tpu.memory_space<vmem>>) target_semaphore(%arg31 : memref<!tpu.dma_semaphore, #tpu.memory_space<semaphore_mem>>)
    "tpu.region"() ({
      %run_scoped3A = tpu.sem_alloc : memref<!tpu.dma_semaphore, #tpu.memory_space<semaphore_mem>>
      %dma_start3A_326 = arith.constant 0 : i32
      %dma_start3A_327 = tpu.memref_slice %arg10[%mul3A_2, %dma_start3A_326] : memref<10112x128xf32, #tpu.memory_space<vmem_shared>> -> memref<632x128xf32, #tpu.memory_space<vmem_shared>>
      tpu.enqueue_dma source(%arg4 : memref<632x128xf32, #tpu.memory_space<hbm>>) target(%dma_start3A_327 : memref<632x128xf32, #tpu.memory_space<vmem_shared>>) target_semaphore(%run_scoped3A : memref<!tpu.dma_semaphore, #tpu.memory_space<semaphore_mem>>)
      %dma_wait3A_328 = arith.constant 0 : i32
      %dma_wait3A_329 = tpu.memref_slice %arg10[%mul3A_2, %dma_wait3A_328] : memref<10112x128xf32, #tpu.memory_space<vmem_shared>> -> memref<632x128xf32, #tpu.memory_space<vmem_shared>>
      tpu.wait_dma2 semaphore(%run_scoped3A : memref<!tpu.dma_semaphore, #tpu.memory_space<semaphore_mem>>) src(%arg4 : memref<632x128xf32, #tpu.memory_space<hbm>>) dst(%dma_wait3A_329 : memref<632x128xf32, #tpu.memory_space<vmem_shared>>)
      tpu.yield
    }) : () -> ()
    "tpu.region"() ({
      %run_scoped3A = tpu.sem_alloc : memref<!tpu.dma_semaphore, #tpu.memory_space<semaphore_mem>>
      %dma_start3A_326 = arith.constant 0 : i32
      %dma_start3A_327 = tpu.memref_slice %arg11[%mul3A_2, %dma_start3A_326] : memref<10112x8xf32, #tpu.memory_space<vmem_shared>> -> memref<632x8xf32, #tpu.memory_space<vmem_shared>>
      tpu.enqueue_dma source(%arg5 : memref<632x8xf32, #tpu.memory_space<hbm>>) target(%dma_start3A_327 : memref<632x8xf32, #tpu.memory_space<vmem_shared>>) target_semaphore(%run_scoped3A : memref<!tpu.dma_semaphore, #tpu.memory_space<semaphore_mem>>)
      %dma_wait3A_328 = arith.constant 0 : i32
      %dma_wait3A_329 = tpu.memref_slice %arg11[%mul3A_2, %dma_wait3A_328] : memref<10112x8xf32, #tpu.memory_space<vmem_shared>> -> memref<632x8xf32, #tpu.memory_space<vmem_shared>>
      tpu.wait_dma2 semaphore(%run_scoped3A : memref<!tpu.dma_semaphore, #tpu.memory_space<semaphore_mem>>) src(%arg5 : memref<632x8xf32, #tpu.memory_space<hbm>>) dst(%dma_wait3A_329 : memref<632x8xf32, #tpu.memory_space<vmem_shared>>)
      tpu.yield
    }) : () -> ()
    %add3A_34 = arith.constant 0 : i32
    %add3A_35 = arith.addi %mul3A_4, %add3A_34 : i32
    %dma_wait3A = arith.constant 0 : i32
    %dma_wait3A_36 = arith.constant 0 : i32
    %dma_wait3A_37 = tpu.memref_slice %arg3[%add3A_35, %dma_wait3A, %dma_wait3A_36] : memref<4000x2x80xi32, #tpu.memory_space<hbm>> -> memref<1x2x80xi32, #tpu.memory_space<hbm>>
    %dma_wait3A_38 = tpu.memref_squeeze %dma_wait3A_37 : memref<1x2x80xi32, #tpu.memory_space<hbm>> -> memref<2x80xi32, #tpu.memory_space<hbm>>
    %dma_wait3A_39 = arith.constant 0 : i32
    %dma_wait3A_40 = arith.constant 0 : i32
    %dma_wait3A_41 = tpu.memref_slice %arg3[%add3A_35, %dma_wait3A_39, %dma_wait3A_40] : memref<4000x2x80xi32, #tpu.memory_space<hbm>> -> memref<1x2x80xi32, #tpu.memory_space<hbm>>
    %dma_wait3A_42 = tpu.memref_squeeze %dma_wait3A_41 : memref<1x2x80xi32, #tpu.memory_space<hbm>> -> memref<2x80xi32, #tpu.memory_space<hbm>>
    tpu.wait_dma2 semaphore(%arg29 : memref<!tpu.dma_semaphore, #tpu.memory_space<semaphore_mem>>) src(%dma_wait3A_42 : memref<2x80xi32, #tpu.memory_space<hbm>>) dst(%arg13 : memref<2x80xi32, #tpu.memory_space<vmem>>)
    %dma_start3A_43 = arith.constant 0 : i32
    %dma_start3A_44 = arith.constant 0 : i32
    %dma_start3A_45 = tpu.memref_slice %arg13[%dma_start3A_43, %dma_start3A_44] : memref<2x80xi32, #tpu.memory_space<vmem>> -> memref<1x80xi32, #tpu.memory_space<vmem>>
    %dma_start3A_46 = tpu.memref_squeeze %dma_start3A_45 : memref<1x80xi32, #tpu.memory_space<vmem>> -> memref<80xi32, #tpu.memory_space<vmem>>
    %dma_start3A_47 = arith.constant 0 : i32
    %dma_start3A_48 = arith.constant 0 : i32
    %dma_start3A_49 = tpu.memref_slice %arg2[%dma_start3A_47, %dma_start3A_48] : memref<10000x128xf32, #tpu.memory_space<hbm>> -> memref<10000x128xf32, #tpu.memory_space<hbm>>
    tpu.enqueue_indirect_dma source(%dma_start3A_49 : memref<10000x128xf32, #tpu.memory_space<hbm>>) target(%arg17 : memref<80x128xf32, #tpu.memory_space<vmem>>) offsets(%dma_start3A_46 : memref<80xi32, #tpu.memory_space<vmem>>) semaphore(%arg21 : memref<!tpu.dma_semaphore, #tpu.memory_space<semaphore_mem>>)
    %add3A_50 = arith.constant 1 : i32
    %add3A_51 = arith.addi %mul3A_4, %add3A_50 : i32
    %dma_wait3A_52 = arith.constant 0 : i32
    %dma_wait3A_53 = arith.constant 0 : i32
    %dma_wait3A_54 = tpu.memref_slice %arg3[%add3A_51, %dma_wait3A_52, %dma_wait3A_53] : memref<4000x2x80xi32, #tpu.memory_space<hbm>> -> memref<1x2x80xi32, #tpu.memory_space<hbm>>
    %dma_wait3A_55 = tpu.memref_squeeze %dma_wait3A_54 : memref<1x2x80xi32, #tpu.memory_space<hbm>> -> memref<2x80xi32, #tpu.memory_space<hbm>>
    %dma_wait3A_56 = arith.constant 0 : i32
    %dma_wait3A_57 = arith.constant 0 : i32
    %dma_wait3A_58 = tpu.memref_slice %arg3[%add3A_51, %dma_wait3A_56, %dma_wait3A_57] : memref<4000x2x80xi32, #tpu.memory_space<hbm>> -> memref<1x2x80xi32, #tpu.memory_space<hbm>>
    %dma_wait3A_59 = tpu.memref_squeeze %dma_wait3A_58 : memref<1x2x80xi32, #tpu.memory_space<hbm>> -> memref<2x80xi32, #tpu.memory_space<hbm>>
    tpu.wait_dma2 semaphore(%arg30 : memref<!tpu.dma_semaphore, #tpu.memory_space<semaphore_mem>>) src(%dma_wait3A_59 : memref<2x80xi32, #tpu.memory_space<hbm>>) dst(%arg14 : memref<2x80xi32, #tpu.memory_space<vmem>>)
    %dma_start3A_60 = arith.constant 0 : i32
    %dma_start3A_61 = arith.constant 0 : i32
    %dma_start3A_62 = tpu.memref_slice %arg14[%dma_start3A_60, %dma_start3A_61] : memref<2x80xi32, #tpu.memory_space<vmem>> -> memref<1x80xi32, #tpu.memory_space<vmem>>
    %dma_start3A_63 = tpu.memref_squeeze %dma_start3A_62 : memref<1x80xi32, #tpu.memory_space<vmem>> -> memref<80xi32, #tpu.memory_space<vmem>>
    %dma_start3A_64 = arith.constant 0 : i32
    %dma_start3A_65 = arith.constant 0 : i32
    %dma_start3A_66 = tpu.memref_slice %arg2[%dma_start3A_64, %dma_start3A_65] : memref<10000x128xf32, #tpu.memory_space<hbm>> -> memref<10000x128xf32, #tpu.memory_space<hbm>>
    tpu.enqueue_indirect_dma source(%dma_start3A_66 : memref<10000x128xf32, #tpu.memory_space<hbm>>) target(%arg18 : memref<80x128xf32, #tpu.memory_space<vmem>>) offsets(%dma_start3A_63 : memref<80xi32, #tpu.memory_space<vmem>>) semaphore(%arg22 : memref<!tpu.dma_semaphore, #tpu.memory_space<semaphore_mem>>)
    %barrier3A = arith.constant 0 : index
    tpu.barrier barrier_id(%barrier3A)
    %dma_wait3A_67 = arith.constant 0 : i32
    %dma_wait3A_68 = arith.constant 0 : i32
    %dma_wait3A_69 = tpu.memref_slice %arg13[%dma_wait3A_67, %dma_wait3A_68] : memref<2x80xi32, #tpu.memory_space<vmem>> -> memref<1x80xi32, #tpu.memory_space<vmem>>
    %dma_wait3A_70 = tpu.memref_squeeze %dma_wait3A_69 : memref<1x80xi32, #tpu.memory_space<vmem>> -> memref<80xi32, #tpu.memory_space<vmem>>
    %dma_wait3A_71 = arith.constant 0 : i32
    %dma_wait3A_72 = arith.constant 0 : i32
    %dma_wait3A_73 = tpu.memref_slice %arg2[%dma_wait3A_71, %dma_wait3A_72] : memref<10000x128xf32, #tpu.memory_space<hbm>> -> memref<10000x128xf32, #tpu.memory_space<hbm>>
    tpu.wait_indirect_dma semaphore(%arg21 : memref<!tpu.dma_semaphore, #tpu.memory_space<semaphore_mem>>) src(%dma_wait3A_73 : memref<10000x128xf32, #tpu.memory_space<hbm>>) dst(%arg17 : memref<80x128xf32, #tpu.memory_space<vmem>>)
    %dma_start3A_74 = arith.constant 1 : i32
    %dma_start3A_75 = arith.constant 0 : i32
    %dma_start3A_76 = tpu.memref_slice %arg13[%dma_start3A_74, %dma_start3A_75] : memref<2x80xi32, #tpu.memory_space<vmem>> -> memref<1x80xi32, #tpu.memory_space<vmem>>
    %dma_start3A_77 = tpu.memref_squeeze %dma_start3A_76 : memref<1x80xi32, #tpu.memory_space<vmem>> -> memref<80xi32, #tpu.memory_space<vmem>>
    %dma_start3A_78 = arith.constant 0 : i32
    %dma_start3A_79 = arith.constant 0 : i32
    %dma_start3A_80 = tpu.memref_slice %arg10[%dma_start3A_78, %dma_start3A_79] : memref<10112x128xf32, #tpu.memory_space<vmem_shared>> -> memref<10112x128xf32, #tpu.memory_space<vmem_shared>>
    tpu.enqueue_indirect_dma source(%arg17 : memref<80x128xf32, #tpu.memory_space<vmem>>) target(%dma_start3A_80 : memref<10112x128xf32, #tpu.memory_space<vmem_shared>>) offsets(%dma_start3A_77 : memref<80xi32, #tpu.memory_space<vmem>>) semaphore(%arg25 : memref<!tpu.dma_semaphore, #tpu.memory_space<semaphore_mem>>) {add = true}
    %dma_start3A_81 = arith.constant 1 : i32
    %dma_start3A_82 = arith.constant 0 : i32
    %dma_start3A_83 = tpu.memref_slice %arg13[%dma_start3A_81, %dma_start3A_82] : memref<2x80xi32, #tpu.memory_space<vmem>> -> memref<1x80xi32, #tpu.memory_space<vmem>>
    %dma_start3A_84 = tpu.memref_squeeze %dma_start3A_83 : memref<1x80xi32, #tpu.memory_space<vmem>> -> memref<80xi32, #tpu.memory_space<vmem>>
    %dma_start3A_85 = arith.constant 0 : i32
    %dma_start3A_86 = arith.constant 0 : i32
    %dma_start3A_87 = tpu.memref_slice %arg11[%dma_start3A_85, %dma_start3A_86] : memref<10112x8xf32, #tpu.memory_space<vmem_shared>> -> memref<10112x8xf32, #tpu.memory_space<vmem_shared>>
    tpu.enqueue_indirect_dma source(%arg12 : memref<80x8xf32, #tpu.memory_space<vmem>>) target(%dma_start3A_87 : memref<10112x8xf32, #tpu.memory_space<vmem_shared>>) offsets(%dma_start3A_84 : memref<80xi32, #tpu.memory_space<vmem>>) semaphore(%arg25 : memref<!tpu.dma_semaphore, #tpu.memory_space<semaphore_mem>>) {add = true}
    %add3A_88 = arith.constant 3 : i32
    %add3A_89 = arith.addi %mul3A_4, %add3A_88 : i32
    %dma_start3A_90 = arith.constant 0 : i32
    %dma_start3A_91 = arith.constant 0 : i32
    %dma_start3A_92 = tpu.memref_slice %arg3[%add3A_89, %dma_start3A_90, %dma_start3A_91] : memref<4000x2x80xi32, #tpu.memory_space<hbm>> -> memref<1x2x80xi32, #tpu.memory_space<hbm>>
    %dma_start3A_93 = tpu.memref_squeeze %dma_start3A_92 : memref<1x2x80xi32, #tpu.memory_space<hbm>> -> memref<2x80xi32, #tpu.memory_space<hbm>>
    %dma_start3A_94 = arith.constant 0 : i32
    %dma_start3A_95 = arith.constant 0 : i32
    %dma_start3A_96 = tpu.memref_slice %arg3[%add3A_89, %dma_start3A_94, %dma_start3A_95] : memref<4000x2x80xi32, #tpu.memory_space<hbm>> -> memref<1x2x80xi32, #tpu.memory_space<hbm>>
    %dma_start3A_97 = tpu.memref_squeeze %dma_start3A_96 : memref<1x2x80xi32, #tpu.memory_space<hbm>> -> memref<2x80xi32, #tpu.memory_space<hbm>>
    tpu.enqueue_dma source(%dma_start3A_97 : memref<2x80xi32, #tpu.memory_space<hbm>>) target(%arg16 : memref<2x80xi32, #tpu.memory_space<vmem>>) target_semaphore(%arg32 : memref<!tpu.dma_semaphore, #tpu.memory_space<semaphore_mem>>)
    %add3A_98 = arith.constant 2 : i32
    %add3A_99 = arith.addi %mul3A_4, %add3A_98 : i32
    %dma_wait3A_100 = arith.constant 0 : i32
    %dma_wait3A_101 = arith.constant 0 : i32
    %dma_wait3A_102 = tpu.memref_slice %arg3[%add3A_99, %dma_wait3A_100, %dma_wait3A_101] : memref<4000x2x80xi32, #tpu.memory_space<hbm>> -> memref<1x2x80xi32, #tpu.memory_space<hbm>>
    %dma_wait3A_103 = tpu.memref_squeeze %dma_wait3A_102 : memref<1x2x80xi32, #tpu.memory_space<hbm>> -> memref<2x80xi32, #tpu.memory_space<hbm>>
    %dma_wait3A_104 = arith.constant 0 : i32
    %dma_wait3A_105 = arith.constant 0 : i32
    %dma_wait3A_106 = tpu.memref_slice %arg3[%add3A_99, %dma_wait3A_104, %dma_wait3A_105] : memref<4000x2x80xi32, #tpu.memory_space<hbm>> -> memref<1x2x80xi32, #tpu.memory_space<hbm>>
    %dma_wait3A_107 = tpu.memref_squeeze %dma_wait3A_106 : memref<1x2x80xi32, #tpu.memory_space<hbm>> -> memref<2x80xi32, #tpu.memory_space<hbm>>
    tpu.wait_dma2 semaphore(%arg31 : memref<!tpu.dma_semaphore, #tpu.memory_space<semaphore_mem>>) src(%dma_wait3A_107 : memref<2x80xi32, #tpu.memory_space<hbm>>) dst(%arg15 : memref<2x80xi32, #tpu.memory_space<vmem>>)
    %dma_start3A_108 = arith.constant 0 : i32
    %dma_start3A_109 = arith.constant 0 : i32
    %dma_start3A_110 = tpu.memref_slice %arg15[%dma_start3A_108, %dma_start3A_109] : memref<2x80xi32, #tpu.memory_space<vmem>> -> memref<1x80xi32, #tpu.memory_space<vmem>>
    %dma_start3A_111 = tpu.memref_squeeze %dma_start3A_110 : memref<1x80xi32, #tpu.memory_space<vmem>> -> memref<80xi32, #tpu.memory_space<vmem>>
    %dma_start3A_112 = arith.constant 0 : i32
    %dma_start3A_113 = arith.constant 0 : i32
    %dma_start3A_114 = tpu.memref_slice %arg2[%dma_start3A_112, %dma_start3A_113] : memref<10000x128xf32, #tpu.memory_space<hbm>> -> memref<10000x128xf32, #tpu.memory_space<hbm>>
    tpu.enqueue_indirect_dma source(%dma_start3A_114 : memref<10000x128xf32, #tpu.memory_space<hbm>>) target(%arg19 : memref<80x128xf32, #tpu.memory_space<vmem>>) offsets(%dma_start3A_111 : memref<80xi32, #tpu.memory_space<vmem>>) semaphore(%arg23 : memref<!tpu.dma_semaphore, #tpu.memory_space<semaphore_mem>>)
    %scan3A = arith.constant 0 : i32
    %scan3A_115 = arith.constant 0 : i32
    %scan3A_116 = arith.constant 30 : i32
    %scan3A_117 = arith.addi %scan3A_115, %scan3A_116 : i32
    %scan3A_118 = arith.constant 1 : i32
    scf.for %scan3A_326 = %scan3A_115 to %scan3A_117 step %scan3A_118  : i32 {
      %mul3A_327 = arith.constant 4 : i32
      %mul3A_328 = arith.muli %mul3A_327, %scan3A_326 : i32
      %add3A_329 = arith.constant 3 : i32
      %add3A_330 = arith.addi %add3A_329, %mul3A_328 : i32
      %add3A_331 = arith.constant 0 : i32
      %add3A_332 = arith.addi %add3A_330, %add3A_331 : i32
      %dma_wait3A_333 = arith.constant 1 : i32
      %dma_wait3A_334 = arith.constant 0 : i32
      %dma_wait3A_335 = tpu.memref_slice %arg13[%dma_wait3A_333, %dma_wait3A_334] : memref<2x80xi32, #tpu.memory_space<vmem>> -> memref<1x80xi32, #tpu.memory_space<vmem>>
      %dma_wait3A_336 = tpu.memref_squeeze %dma_wait3A_335 : memref<1x80xi32, #tpu.memory_space<vmem>> -> memref<80xi32, #tpu.memory_space<vmem>>
      %dma_wait3A_337 = arith.constant 0 : i32
      %dma_wait3A_338 = arith.constant 0 : i32
      %dma_wait3A_339 = tpu.memref_slice %arg10[%dma_wait3A_337, %dma_wait3A_338] : memref<10112x128xf32, #tpu.memory_space<vmem_shared>> -> memref<10112x128xf32, #tpu.memory_space<vmem_shared>>
      tpu.wait_indirect_dma semaphore(%arg25 : memref<!tpu.dma_semaphore, #tpu.memory_space<semaphore_mem>>) src(%arg17 : memref<80x128xf32, #tpu.memory_space<vmem>>) dst(%dma_wait3A_339 : memref<10112x128xf32, #tpu.memory_space<vmem_shared>>)
      %dma_wait3A_340 = arith.constant 1 : i32
      %dma_wait3A_341 = arith.constant 0 : i32
      %dma_wait3A_342 = tpu.memref_slice %arg13[%dma_wait3A_340, %dma_wait3A_341] : memref<2x80xi32, #tpu.memory_space<vmem>> -> memref<1x80xi32, #tpu.memory_space<vmem>>
      %dma_wait3A_343 = tpu.memref_squeeze %dma_wait3A_342 : memref<1x80xi32, #tpu.memory_space<vmem>> -> memref<80xi32, #tpu.memory_space<vmem>>
      %dma_wait3A_344 = arith.constant 0 : i32
      %dma_wait3A_345 = arith.constant 0 : i32
      %dma_wait3A_346 = tpu.memref_slice %arg11[%dma_wait3A_344, %dma_wait3A_345] : memref<10112x8xf32, #tpu.memory_space<vmem_shared>> -> memref<10112x8xf32, #tpu.memory_space<vmem_shared>>
      tpu.wait_indirect_dma semaphore(%arg25 : memref<!tpu.dma_semaphore, #tpu.memory_space<semaphore_mem>>) src(%arg12 : memref<80x8xf32, #tpu.memory_space<vmem>>) dst(%dma_wait3A_346 : memref<10112x8xf32, #tpu.memory_space<vmem_shared>>)
      %add3A_347 = arith.constant 1 : i32
      %add3A_348 = arith.addi %add3A_332, %add3A_347 : i32
      %add3A_349 = arith.addi %mul3A_4, %add3A_348 : i32
      %dma_start3A_350 = arith.constant 0 : i32
      %dma_start3A_351 = arith.constant 0 : i32
      %dma_start3A_352 = tpu.memref_slice %arg3[%add3A_349, %dma_start3A_350, %dma_start3A_351] : memref<4000x2x80xi32, #tpu.memory_space<hbm>> -> memref<1x2x80xi32, #tpu.memory_space<hbm>>
      %dma_start3A_353 = tpu.memref_squeeze %dma_start3A_352 : memref<1x2x80xi32, #tpu.memory_space<hbm>> -> memref<2x80xi32, #tpu.memory_space<hbm>>
      %dma_start3A_354 = arith.constant 0 : i32
      %dma_start3A_355 = arith.constant 0 : i32
      %dma_start3A_356 = tpu.memref_slice %arg3[%add3A_349, %dma_start3A_354, %dma_start3A_355] : memref<4000x2x80xi32, #tpu.memory_space<hbm>> -> memref<1x2x80xi32, #tpu.memory_space<hbm>>
      %dma_start3A_357 = tpu.memref_squeeze %dma_start3A_356 : memref<1x2x80xi32, #tpu.memory_space<hbm>> -> memref<2x80xi32, #tpu.memory_space<hbm>>
      tpu.enqueue_dma source(%dma_start3A_357 : memref<2x80xi32, #tpu.memory_space<hbm>>) target(%arg13 : memref<2x80xi32, #tpu.memory_space<vmem>>) target_semaphore(%arg29 : memref<!tpu.dma_semaphore, #tpu.memory_space<semaphore_mem>>)
      %add3A_358 = arith.addi %mul3A_4, %add3A_332 : i32
      %dma_wait3A_359 = arith.constant 0 : i32
      %dma_wait3A_360 = arith.constant 0 : i32
      %dma_wait3A_361 = tpu.memref_slice %arg3[%add3A_358, %dma_wait3A_359, %dma_wait3A_360] : memref<4000x2x80xi32, #tpu.memory_space<hbm>> -> memref<1x2x80xi32, #tpu.memory_space<hbm>>
      %dma_wait3A_362 = tpu.memref_squeeze %dma_wait3A_361 : memref<1x2x80xi32, #tpu.memory_space<hbm>> -> memref<2x80xi32, #tpu.memory_space<hbm>>
      %dma_wait3A_363 = arith.constant 0 : i32
      %dma_wait3A_364 = arith.constant 0 : i32
      %dma_wait3A_365 = tpu.memref_slice %arg3[%add3A_358, %dma_wait3A_363, %dma_wait3A_364] : memref<4000x2x80xi32, #tpu.memory_space<hbm>> -> memref<1x2x80xi32, #tpu.memory_space<hbm>>
      %dma_wait3A_366 = tpu.memref_squeeze %dma_wait3A_365 : memref<1x2x80xi32, #tpu.memory_space<hbm>> -> memref<2x80xi32, #tpu.memory_space<hbm>>
      tpu.wait_dma2 semaphore(%arg32 : memref<!tpu.dma_semaphore, #tpu.memory_space<semaphore_mem>>) src(%dma_wait3A_366 : memref<2x80xi32, #tpu.memory_space<hbm>>) dst(%arg16 : memref<2x80xi32, #tpu.memory_space<vmem>>)
      %dma_start3A_367 = arith.constant 0 : i32
      %dma_start3A_368 = arith.constant 0 : i32
      %dma_start3A_369 = tpu.memref_slice %arg16[%dma_start3A_367, %dma_start3A_368] : memref<2x80xi32, #tpu.memory_space<vmem>> -> memref<1x80xi32, #tpu.memory_space<vmem>>
      %dma_start3A_370 = tpu.memref_squeeze %dma_start3A_369 : memref<1x80xi32, #tpu.memory_space<vmem>> -> memref<80xi32, #tpu.memory_space<vmem>>
      %dma_start3A_371 = arith.constant 0 : i32
      %dma_start3A_372 = arith.constant 0 : i32
      %dma_start3A_373 = tpu.memref_slice %arg2[%dma_start3A_371, %dma_start3A_372] : memref<10000x128xf32, #tpu.memory_space<hbm>> -> memref<10000x128xf32, #tpu.memory_space<hbm>>
      tpu.enqueue_indirect_dma source(%dma_start3A_373 : memref<10000x128xf32, #tpu.memory_space<hbm>>) target(%arg20 : memref<80x128xf32, #tpu.memory_space<vmem>>) offsets(%dma_start3A_370 : memref<80xi32, #tpu.memory_space<vmem>>) semaphore(%arg24 : memref<!tpu.dma_semaphore, #tpu.memory_space<semaphore_mem>>)
      %dma_wait3A_374 = arith.constant 0 : i32
      %dma_wait3A_375 = arith.constant 0 : i32
      %dma_wait3A_376 = tpu.memref_slice %arg14[%dma_wait3A_374, %dma_wait3A_375] : memref<2x80xi32, #tpu.memory_space<vmem>> -> memref<1x80xi32, #tpu.memory_space<vmem>>
      %dma_wait3A_377 = tpu.memref_squeeze %dma_wait3A_376 : memref<1x80xi32, #tpu.memory_space<vmem>> -> memref<80xi32, #tpu.memory_space<vmem>>
      %dma_wait3A_378 = arith.constant 0 : i32
      %dma_wait3A_379 = arith.constant 0 : i32
      %dma_wait3A_380 = tpu.memref_slice %arg2[%dma_wait3A_378, %dma_wait3A_379] : memref<10000x128xf32, #tpu.memory_space<hbm>> -> memref<10000x128xf32, #tpu.memory_space<hbm>>
      tpu.wait_indirect_dma semaphore(%arg22 : memref<!tpu.dma_semaphore, #tpu.memory_space<semaphore_mem>>) src(%dma_wait3A_380 : memref<10000x128xf32, #tpu.memory_space<hbm>>) dst(%arg18 : memref<80x128xf32, #tpu.memory_space<vmem>>)
      %dma_start3A_381 = arith.constant 1 : i32
      %dma_start3A_382 = arith.constant 0 : i32
      %dma_start3A_383 = tpu.memref_slice %arg14[%dma_start3A_381, %dma_start3A_382] : memref<2x80xi32, #tpu.memory_space<vmem>> -> memref<1x80xi32, #tpu.memory_space<vmem>>
      %dma_start3A_384 = tpu.memref_squeeze %dma_start3A_383 : memref<1x80xi32, #tpu.memory_space<vmem>> -> memref<80xi32, #tpu.memory_space<vmem>>
      %dma_start3A_385 = arith.constant 0 : i32
      %dma_start3A_386 = arith.constant 0 : i32
      %dma_start3A_387 = tpu.memref_slice %arg10[%dma_start3A_385, %dma_start3A_386] : memref<10112x128xf32, #tpu.memory_space<vmem_shared>> -> memref<10112x128xf32, #tpu.memory_space<vmem_shared>>
      tpu.enqueue_indirect_dma source(%arg18 : memref<80x128xf32, #tpu.memory_space<vmem>>) target(%dma_start3A_387 : memref<10112x128xf32, #tpu.memory_space<vmem_shared>>) offsets(%dma_start3A_384 : memref<80xi32, #tpu.memory_space<vmem>>) semaphore(%arg26 : memref<!tpu.dma_semaphore, #tpu.memory_space<semaphore_mem>>) {add = true}
      %dma_start3A_388 = arith.constant 1 : i32
      %dma_start3A_389 = arith.constant 0 : i32
      %dma_start3A_390 = tpu.memref_slice %arg14[%dma_start3A_388, %dma_start3A_389] : memref<2x80xi32, #tpu.memory_space<vmem>> -> memref<1x80xi32, #tpu.memory_space<vmem>>
      %dma_start3A_391 = tpu.memref_squeeze %dma_start3A_390 : memref<1x80xi32, #tpu.memory_space<vmem>> -> memref<80xi32, #tpu.memory_space<vmem>>
      %dma_start3A_392 = arith.constant 0 : i32
      %dma_start3A_393 = arith.constant 0 : i32
      %dma_start3A_394 = tpu.memref_slice %arg11[%dma_start3A_392, %dma_start3A_393] : memref<10112x8xf32, #tpu.memory_space<vmem_shared>> -> memref<10112x8xf32, #tpu.memory_space<vmem_shared>>
      tpu.enqueue_indirect_dma source(%arg12 : memref<80x8xf32, #tpu.memory_space<vmem>>) target(%dma_start3A_394 : memref<10112x8xf32, #tpu.memory_space<vmem_shared>>) offsets(%dma_start3A_391 : memref<80xi32, #tpu.memory_space<vmem>>) semaphore(%arg26 : memref<!tpu.dma_semaphore, #tpu.memory_space<semaphore_mem>>) {add = true}
      %add3A_395 = arith.constant 1 : i32
      %add3A_396 = arith.addi %add3A_330, %add3A_395 : i32
      %dma_wait3A_397 = arith.constant 1 : i32
      %dma_wait3A_398 = arith.constant 0 : i32
      %dma_wait3A_399 = tpu.memref_slice %arg14[%dma_wait3A_397, %dma_wait3A_398] : memref<2x80xi32, #tpu.memory_space<vmem>> -> memref<1x80xi32, #tpu.memory_space<vmem>>
      %dma_wait3A_400 = tpu.memref_squeeze %dma_wait3A_399 : memref<1x80xi32, #tpu.memory_space<vmem>> -> memref<80xi32, #tpu.memory_space<vmem>>
      %dma_wait3A_401 = arith.constant 0 : i32
      %dma_wait3A_402 = arith.constant 0 : i32
      %dma_wait3A_403 = tpu.memref_slice %arg10[%dma_wait3A_401, %dma_wait3A_402] : memref<10112x128xf32, #tpu.memory_space<vmem_shared>> -> memref<10112x128xf32, #tpu.memory_space<vmem_shared>>
      tpu.wait_indirect_dma semaphore(%arg26 : memref<!tpu.dma_semaphore, #tpu.memory_space<semaphore_mem>>) src(%arg18 : memref<80x128xf32, #tpu.memory_space<vmem>>) dst(%dma_wait3A_403 : memref<10112x128xf32, #tpu.memory_space<vmem_shared>>)
      %dma_wait3A_404 = arith.constant 1 : i32
      %dma_wait3A_405 = arith.constant 0 : i32
      %dma_wait3A_406 = tpu.memref_slice %arg14[%dma_wait3A_404, %dma_wait3A_405] : memref<2x80xi32, #tpu.memory_space<vmem>> -> memref<1x80xi32, #tpu.memory_space<vmem>>
      %dma_wait3A_407 = tpu.memref_squeeze %dma_wait3A_406 : memref<1x80xi32, #tpu.memory_space<vmem>> -> memref<80xi32, #tpu.memory_space<vmem>>
      %dma_wait3A_408 = arith.constant 0 : i32
      %dma_wait3A_409 = arith.constant 0 : i32
      %dma_wait3A_410 = tpu.memref_slice %arg11[%dma_wait3A_408, %dma_wait3A_409] : memref<10112x8xf32, #tpu.memory_space<vmem_shared>> -> memref<10112x8xf32, #tpu.memory_space<vmem_shared>>
      tpu.wait_indirect_dma semaphore(%arg26 : memref<!tpu.dma_semaphore, #tpu.memory_space<semaphore_mem>>) src(%arg12 : memref<80x8xf32, #tpu.memory_space<vmem>>) dst(%dma_wait3A_410 : memref<10112x8xf32, #tpu.memory_space<vmem_shared>>)
      %add3A_411 = arith.constant 1 : i32
      %add3A_412 = arith.addi %add3A_396, %add3A_411 : i32
      %add3A_413 = arith.addi %mul3A_4, %add3A_412 : i32
      %dma_start3A_414 = arith.constant 0 : i32
      %dma_start3A_415 = arith.constant 0 : i32
      %dma_start3A_416 = tpu.memref_slice %arg3[%add3A_413, %dma_start3A_414, %dma_start3A_415] : memref<4000x2x80xi32, #tpu.memory_space<hbm>> -> memref<1x2x80xi32, #tpu.memory_space<hbm>>
      %dma_start3A_417 = tpu.memref_squeeze %dma_start3A_416 : memref<1x2x80xi32, #tpu.memory_space<hbm>> -> memref<2x80xi32, #tpu.memory_space<hbm>>
      %dma_start3A_418 = arith.constant 0 : i32
      %dma_start3A_419 = arith.constant 0 : i32
      %dma_start3A_420 = tpu.memref_slice %arg3[%add3A_413, %dma_start3A_418, %dma_start3A_419] : memref<4000x2x80xi32, #tpu.memory_space<hbm>> -> memref<1x2x80xi32, #tpu.memory_space<hbm>>
      %dma_start3A_421 = tpu.memref_squeeze %dma_start3A_420 : memref<1x2x80xi32, #tpu.memory_space<hbm>> -> memref<2x80xi32, #tpu.memory_space<hbm>>
      tpu.enqueue_dma source(%dma_start3A_421 : memref<2x80xi32, #tpu.memory_space<hbm>>) target(%arg14 : memref<2x80xi32, #tpu.memory_space<vmem>>) target_semaphore(%arg30 : memref<!tpu.dma_semaphore, #tpu.memory_space<semaphore_mem>>)
      %add3A_422 = arith.addi %mul3A_4, %add3A_396 : i32
      %dma_wait3A_423 = arith.constant 0 : i32
      %dma_wait3A_424 = arith.constant 0 : i32
      %dma_wait3A_425 = tpu.memref_slice %arg3[%add3A_422, %dma_wait3A_423, %dma_wait3A_424] : memref<4000x2x80xi32, #tpu.memory_space<hbm>> -> memref<1x2x80xi32, #tpu.memory_space<hbm>>
      %dma_wait3A_426 = tpu.memref_squeeze %dma_wait3A_425 : memref<1x2x80xi32, #tpu.memory_space<hbm>> -> memref<2x80xi32, #tpu.memory_space<hbm>>
      %dma_wait3A_427 = arith.constant 0 : i32
      %dma_wait3A_428 = arith.constant 0 : i32
      %dma_wait3A_429 = tpu.memref_slice %arg3[%add3A_422, %dma_wait3A_427, %dma_wait3A_428] : memref<4000x2x80xi32, #tpu.memory_space<hbm>> -> memref<1x2x80xi32, #tpu.memory_space<hbm>>
      %dma_wait3A_430 = tpu.memref_squeeze %dma_wait3A_429 : memref<1x2x80xi32, #tpu.memory_space<hbm>> -> memref<2x80xi32, #tpu.memory_space<hbm>>
      tpu.wait_dma2 semaphore(%arg29 : memref<!tpu.dma_semaphore, #tpu.memory_space<semaphore_mem>>) src(%dma_wait3A_430 : memref<2x80xi32, #tpu.memory_space<hbm>>) dst(%arg13 : memref<2x80xi32, #tpu.memory_space<vmem>>)
      %dma_start3A_431 = arith.constant 0 : i32
      %dma_start3A_432 = arith.constant 0 : i32
      %dma_start3A_433 = tpu.memref_slice %arg13[%dma_start3A_431, %dma_start3A_432] : memref<2x80xi32, #tpu.memory_space<vmem>> -> memref<1x80xi32, #tpu.memory_space<vmem>>
      %dma_start3A_434 = tpu.memref_squeeze %dma_start3A_433 : memref<1x80xi32, #tpu.memory_space<vmem>> -> memref<80xi32, #tpu.memory_space<vmem>>
      %dma_start3A_435 = arith.constant 0 : i32
      %dma_start3A_436 = arith.constant 0 : i32
      %dma_start3A_437 = tpu.memref_slice %arg2[%dma_start3A_435, %dma_start3A_436] : memref<10000x128xf32, #tpu.memory_space<hbm>> -> memref<10000x128xf32, #tpu.memory_space<hbm>>
      tpu.enqueue_indirect_dma source(%dma_start3A_437 : memref<10000x128xf32, #tpu.memory_space<hbm>>) target(%arg17 : memref<80x128xf32, #tpu.memory_space<vmem>>) offsets(%dma_start3A_434 : memref<80xi32, #tpu.memory_space<vmem>>) semaphore(%arg21 : memref<!tpu.dma_semaphore, #tpu.memory_space<semaphore_mem>>)
      %dma_wait3A_438 = arith.constant 0 : i32
      %dma_wait3A_439 = arith.constant 0 : i32
      %dma_wait3A_440 = tpu.memref_slice %arg15[%dma_wait3A_438, %dma_wait3A_439] : memref<2x80xi32, #tpu.memory_space<vmem>> -> memref<1x80xi32, #tpu.memory_space<vmem>>
      %dma_wait3A_441 = tpu.memref_squeeze %dma_wait3A_440 : memref<1x80xi32, #tpu.memory_space<vmem>> -> memref<80xi32, #tpu.memory_space<vmem>>
      %dma_wait3A_442 = arith.constant 0 : i32
      %dma_wait3A_443 = arith.constant 0 : i32
      %dma_wait3A_444 = tpu.memref_slice %arg2[%dma_wait3A_442, %dma_wait3A_443] : memref<10000x128xf32, #tpu.memory_space<hbm>> -> memref<10000x128xf32, #tpu.memory_space<hbm>>
      tpu.wait_indirect_dma semaphore(%arg23 : memref<!tpu.dma_semaphore, #tpu.memory_space<semaphore_mem>>) src(%dma_wait3A_444 : memref<10000x128xf32, #tpu.memory_space<hbm>>) dst(%arg19 : memref<80x128xf32, #tpu.memory_space<vmem>>)
      %dma_start3A_445 = arith.constant 1 : i32
      %dma_start3A_446 = arith.constant 0 : i32
      %dma_start3A_447 = tpu.memref_slice %arg15[%dma_start3A_445, %dma_start3A_446] : memref<2x80xi32, #tpu.memory_space<vmem>> -> memref<1x80xi32, #tpu.memory_space<vmem>>
      %dma_start3A_448 = tpu.memref_squeeze %dma_start3A_447 : memref<1x80xi32, #tpu.memory_space<vmem>> -> memref<80xi32, #tpu.memory_space<vmem>>
      %dma_start3A_449 = arith.constant 0 : i32
      %dma_start3A_450 = arith.constant 0 : i32
      %dma_start3A_451 = tpu.memref_slice %arg10[%dma_start3A_449, %dma_start3A_450] : memref<10112x128xf32, #tpu.memory_space<vmem_shared>> -> memref<10112x128xf32, #tpu.memory_space<vmem_shared>>
      tpu.enqueue_indirect_dma source(%arg19 : memref<80x128xf32, #tpu.memory_space<vmem>>) target(%dma_start3A_451 : memref<10112x128xf32, #tpu.memory_space<vmem_shared>>) offsets(%dma_start3A_448 : memref<80xi32, #tpu.memory_space<vmem>>) semaphore(%arg27 : memref<!tpu.dma_semaphore, #tpu.memory_space<semaphore_mem>>) {add = true}
      %dma_start3A_452 = arith.constant 1 : i32
      %dma_start3A_453 = arith.constant 0 : i32
      %dma_start3A_454 = tpu.memref_slice %arg15[%dma_start3A_452, %dma_start3A_453] : memref<2x80xi32, #tpu.memory_space<vmem>> -> memref<1x80xi32, #tpu.memory_space<vmem>>
      %dma_start3A_455 = tpu.memref_squeeze %dma_start3A_454 : memref<1x80xi32, #tpu.memory_space<vmem>> -> memref<80xi32, #tpu.memory_space<vmem>>
      %dma_start3A_456 = arith.constant 0 : i32
      %dma_start3A_457 = arith.constant 0 : i32
      %dma_start3A_458 = tpu.memref_slice %arg11[%dma_start3A_456, %dma_start3A_457] : memref<10112x8xf32, #tpu.memory_space<vmem_shared>> -> memref<10112x8xf32, #tpu.memory_space<vmem_shared>>
      tpu.enqueue_indirect_dma source(%arg12 : memref<80x8xf32, #tpu.memory_space<vmem>>) target(%dma_start3A_458 : memref<10112x8xf32, #tpu.memory_space<vmem_shared>>) offsets(%dma_start3A_455 : memref<80xi32, #tpu.memory_space<vmem>>) semaphore(%arg27 : memref<!tpu.dma_semaphore, #tpu.memory_space<semaphore_mem>>) {add = true}
      %add3A_459 = arith.constant 2 : i32
      %add3A_460 = arith.addi %add3A_330, %add3A_459 : i32
      %dma_wait3A_461 = arith.constant 1 : i32
      %dma_wait3A_462 = arith.constant 0 : i32
      %dma_wait3A_463 = tpu.memref_slice %arg15[%dma_wait3A_461, %dma_wait3A_462] : memref<2x80xi32, #tpu.memory_space<vmem>> -> memref<1x80xi32, #tpu.memory_space<vmem>>
      %dma_wait3A_464 = tpu.memref_squeeze %dma_wait3A_463 : memref<1x80xi32, #tpu.memory_space<vmem>> -> memref<80xi32, #tpu.memory_space<vmem>>
      %dma_wait3A_465 = arith.constant 0 : i32
      %dma_wait3A_466 = arith.constant 0 : i32
      %dma_wait3A_467 = tpu.memref_slice %arg10[%dma_wait3A_465, %dma_wait3A_466] : memref<10112x128xf32, #tpu.memory_space<vmem_shared>> -> memref<10112x128xf32, #tpu.memory_space<vmem_shared>>
      tpu.wait_indirect_dma semaphore(%arg27 : memref<!tpu.dma_semaphore, #tpu.memory_space<semaphore_mem>>) src(%arg19 : memref<80x128xf32, #tpu.memory_space<vmem>>) dst(%dma_wait3A_467 : memref<10112x128xf32, #tpu.memory_space<vmem_shared>>)
      %dma_wait3A_468 = arith.constant 1 : i32
      %dma_wait3A_469 = arith.constant 0 : i32
      %dma_wait3A_470 = tpu.memref_slice %arg15[%dma_wait3A_468, %dma_wait3A_469] : memref<2x80xi32, #tpu.memory_space<vmem>> -> memref<1x80xi32, #tpu.memory_space<vmem>>
      %dma_wait3A_471 = tpu.memref_squeeze %dma_wait3A_470 : memref<1x80xi32, #tpu.memory_space<vmem>> -> memref<80xi32, #tpu.memory_space<vmem>>
      %dma_wait3A_472 = arith.constant 0 : i32
      %dma_wait3A_473 = arith.constant 0 : i32
      %dma_wait3A_474 = tpu.memref_slice %arg11[%dma_wait3A_472, %dma_wait3A_473] : memref<10112x8xf32, #tpu.memory_space<vmem_shared>> -> memref<10112x8xf32, #tpu.memory_space<vmem_shared>>
      tpu.wait_indirect_dma semaphore(%arg27 : memref<!tpu.dma_semaphore, #tpu.memory_space<semaphore_mem>>) src(%arg12 : memref<80x8xf32, #tpu.memory_space<vmem>>) dst(%dma_wait3A_474 : memref<10112x8xf32, #tpu.memory_space<vmem_shared>>)
      %add3A_475 = arith.constant 1 : i32
      %add3A_476 = arith.addi %add3A_460, %add3A_475 : i32
      %add3A_477 = arith.addi %mul3A_4, %add3A_476 : i32
      %dma_start3A_478 = arith.constant 0 : i32
      %dma_start3A_479 = arith.constant 0 : i32
      %dma_start3A_480 = tpu.memref_slice %arg3[%add3A_477, %dma_start3A_478, %dma_start3A_479] : memref<4000x2x80xi32, #tpu.memory_space<hbm>> -> memref<1x2x80xi32, #tpu.memory_space<hbm>>
      %dma_start3A_481 = tpu.memref_squeeze %dma_start3A_480 : memref<1x2x80xi32, #tpu.memory_space<hbm>> -> memref<2x80xi32, #tpu.memory_space<hbm>>
      %dma_start3A_482 = arith.constant 0 : i32
      %dma_start3A_483 = arith.constant 0 : i32
      %dma_start3A_484 = tpu.memref_slice %arg3[%add3A_477, %dma_start3A_482, %dma_start3A_483] : memref<4000x2x80xi32, #tpu.memory_space<hbm>> -> memref<1x2x80xi32, #tpu.memory_space<hbm>>
      %dma_start3A_485 = tpu.memref_squeeze %dma_start3A_484 : memref<1x2x80xi32, #tpu.memory_space<hbm>> -> memref<2x80xi32, #tpu.memory_space<hbm>>
      tpu.enqueue_dma source(%dma_start3A_485 : memref<2x80xi32, #tpu.memory_space<hbm>>) target(%arg15 : memref<2x80xi32, #tpu.memory_space<vmem>>) target_semaphore(%arg31 : memref<!tpu.dma_semaphore, #tpu.memory_space<semaphore_mem>>)
      %add3A_486 = arith.addi %mul3A_4, %add3A_460 : i32
      %dma_wait3A_487 = arith.constant 0 : i32
      %dma_wait3A_488 = arith.constant 0 : i32
      %dma_wait3A_489 = tpu.memref_slice %arg3[%add3A_486, %dma_wait3A_487, %dma_wait3A_488] : memref<4000x2x80xi32, #tpu.memory_space<hbm>> -> memref<1x2x80xi32, #tpu.memory_space<hbm>>
      %dma_wait3A_490 = tpu.memref_squeeze %dma_wait3A_489 : memref<1x2x80xi32, #tpu.memory_space<hbm>> -> memref<2x80xi32, #tpu.memory_space<hbm>>
      %dma_wait3A_491 = arith.constant 0 : i32
      %dma_wait3A_492 = arith.constant 0 : i32
      %dma_wait3A_493 = tpu.memref_slice %arg3[%add3A_486, %dma_wait3A_491, %dma_wait3A_492] : memref<4000x2x80xi32, #tpu.memory_space<hbm>> -> memref<1x2x80xi32, #tpu.memory_space<hbm>>
      %dma_wait3A_494 = tpu.memref_squeeze %dma_wait3A_493 : memref<1x2x80xi32, #tpu.memory_space<hbm>> -> memref<2x80xi32, #tpu.memory_space<hbm>>
      tpu.wait_dma2 semaphore(%arg30 : memref<!tpu.dma_semaphore, #tpu.memory_space<semaphore_mem>>) src(%dma_wait3A_494 : memref<2x80xi32, #tpu.memory_space<hbm>>) dst(%arg14 : memref<2x80xi32, #tpu.memory_space<vmem>>)
      %dma_start3A_495 = arith.constant 0 : i32
      %dma_start3A_496 = arith.constant 0 : i32
      %dma_start3A_497 = tpu.memref_slice %arg14[%dma_start3A_495, %dma_start3A_496] : memref<2x80xi32, #tpu.memory_space<vmem>> -> memref<1x80xi32, #tpu.memory_space<vmem>>
      %dma_start3A_498 = tpu.memref_squeeze %dma_start3A_497 : memref<1x80xi32, #tpu.memory_space<vmem>> -> memref<80xi32, #tpu.memory_space<vmem>>
      %dma_start3A_499 = arith.constant 0 : i32
      %dma_start3A_500 = arith.constant 0 : i32
      %dma_start3A_501 = tpu.memref_slice %arg2[%dma_start3A_499, %dma_start3A_500] : memref<10000x128xf32, #tpu.memory_space<hbm>> -> memref<10000x128xf32, #tpu.memory_space<hbm>>
      tpu.enqueue_indirect_dma source(%dma_start3A_501 : memref<10000x128xf32, #tpu.memory_space<hbm>>) target(%arg18 : memref<80x128xf32, #tpu.memory_space<vmem>>) offsets(%dma_start3A_498 : memref<80xi32, #tpu.memory_space<vmem>>) semaphore(%arg22 : memref<!tpu.dma_semaphore, #tpu.memory_space<semaphore_mem>>)
      %dma_wait3A_502 = arith.constant 0 : i32
      %dma_wait3A_503 = arith.constant 0 : i32
      %dma_wait3A_504 = tpu.memref_slice %arg16[%dma_wait3A_502, %dma_wait3A_503] : memref<2x80xi32, #tpu.memory_space<vmem>> -> memref<1x80xi32, #tpu.memory_space<vmem>>
      %dma_wait3A_505 = tpu.memref_squeeze %dma_wait3A_504 : memref<1x80xi32, #tpu.memory_space<vmem>> -> memref<80xi32, #tpu.memory_space<vmem>>
      %dma_wait3A_506 = arith.constant 0 : i32
      %dma_wait3A_507 = arith.constant 0 : i32
      %dma_wait3A_508 = tpu.memref_slice %arg2[%dma_wait3A_506, %dma_wait3A_507] : memref<10000x128xf32, #tpu.memory_space<hbm>> -> memref<10000x128xf32, #tpu.memory_space<hbm>>
      tpu.wait_indirect_dma semaphore(%arg24 : memref<!tpu.dma_semaphore, #tpu.memory_space<semaphore_mem>>) src(%dma_wait3A_508 : memref<10000x128xf32, #tpu.memory_space<hbm>>) dst(%arg20 : memref<80x128xf32, #tpu.memory_space<vmem>>)
      %dma_start3A_509 = arith.constant 1 : i32
      %dma_start3A_510 = arith.constant 0 : i32
      %dma_start3A_511 = tpu.memref_slice %arg16[%dma_start3A_509, %dma_start3A_510] : memref<2x80xi32, #tpu.memory_space<vmem>> -> memref<1x80xi32, #tpu.memory_space<vmem>>
      %dma_start3A_512 = tpu.memref_squeeze %dma_start3A_511 : memref<1x80xi32, #tpu.memory_space<vmem>> -> memref<80xi32, #tpu.memory_space<vmem>>
      %dma_start3A_513 = arith.constant 0 : i32
      %dma_start3A_514 = arith.constant 0 : i32
      %dma_start3A_515 = tpu.memref_slice %arg10[%dma_start3A_513, %dma_start3A_514] : memref<10112x128xf32, #tpu.memory_space<vmem_shared>> -> memref<10112x128xf32, #tpu.memory_space<vmem_shared>>
      tpu.enqueue_indirect_dma source(%arg20 : memref<80x128xf32, #tpu.memory_space<vmem>>) target(%dma_start3A_515 : memref<10112x128xf32, #tpu.memory_space<vmem_shared>>) offsets(%dma_start3A_512 : memref<80xi32, #tpu.memory_space<vmem>>) semaphore(%arg28 : memref<!tpu.dma_semaphore, #tpu.memory_space<semaphore_mem>>) {add = true}
      %dma_start3A_516 = arith.constant 1 : i32
      %dma_start3A_517 = arith.constant 0 : i32
      %dma_start3A_518 = tpu.memref_slice %arg16[%dma_start3A_516, %dma_start3A_517] : memref<2x80xi32, #tpu.memory_space<vmem>> -> memref<1x80xi32, #tpu.memory_space<vmem>>
      %dma_start3A_519 = tpu.memref_squeeze %dma_start3A_518 : memref<1x80xi32, #tpu.memory_space<vmem>> -> memref<80xi32, #tpu.memory_space<vmem>>
      %dma_start3A_520 = arith.constant 0 : i32
      %dma_start3A_521 = arith.constant 0 : i32
      %dma_start3A_522 = tpu.memref_slice %arg11[%dma_start3A_520, %dma_start3A_521] : memref<10112x8xf32, #tpu.memory_space<vmem_shared>> -> memref<10112x8xf32, #tpu.memory_space<vmem_shared>>
      tpu.enqueue_indirect_dma source(%arg12 : memref<80x8xf32, #tpu.memory_space<vmem>>) target(%dma_start3A_522 : memref<10112x8xf32, #tpu.memory_space<vmem_shared>>) offsets(%dma_start3A_519 : memref<80xi32, #tpu.memory_space<vmem>>) semaphore(%arg28 : memref<!tpu.dma_semaphore, #tpu.memory_space<semaphore_mem>>) {add = true}
      %add3A_523 = arith.constant 3 : i32
      %add3A_524 = arith.addi %add3A_330, %add3A_523 : i32
      %dma_wait3A_525 = arith.constant 1 : i32
      %dma_wait3A_526 = arith.constant 0 : i32
      %dma_wait3A_527 = tpu.memref_slice %arg16[%dma_wait3A_525, %dma_wait3A_526] : memref<2x80xi32, #tpu.memory_space<vmem>> -> memref<1x80xi32, #tpu.memory_space<vmem>>
      %dma_wait3A_528 = tpu.memref_squeeze %dma_wait3A_527 : memref<1x80xi32, #tpu.memory_space<vmem>> -> memref<80xi32, #tpu.memory_space<vmem>>
      %dma_wait3A_529 = arith.constant 0 : i32
      %dma_wait3A_530 = arith.constant 0 : i32
      %dma_wait3A_531 = tpu.memref_slice %arg10[%dma_wait3A_529, %dma_wait3A_530] : memref<10112x128xf32, #tpu.memory_space<vmem_shared>> -> memref<10112x128xf32, #tpu.memory_space<vmem_shared>>
      tpu.wait_indirect_dma semaphore(%arg28 : memref<!tpu.dma_semaphore, #tpu.memory_space<semaphore_mem>>) src(%arg20 : memref<80x128xf32, #tpu.memory_space<vmem>>) dst(%dma_wait3A_531 : memref<10112x128xf32, #tpu.memory_space<vmem_shared>>)
      %dma_wait3A_532 = arith.constant 1 : i32
      %dma_wait3A_533 = arith.constant 0 : i32
      %dma_wait3A_534 = tpu.memref_slice %arg16[%dma_wait3A_532, %dma_wait3A_533] : memref<2x80xi32, #tpu.memory_space<vmem>> -> memref<1x80xi32, #tpu.memory_space<vmem>>
      %dma_wait3A_535 = tpu.memref_squeeze %dma_wait3A_534 : memref<1x80xi32, #tpu.memory_space<vmem>> -> memref<80xi32, #tpu.memory_space<vmem>>
      %dma_wait3A_536 = arith.constant 0 : i32
      %dma_wait3A_537 = arith.constant 0 : i32
      %dma_wait3A_538 = tpu.memref_slice %arg11[%dma_wait3A_536, %dma_wait3A_537] : memref<10112x8xf32, #tpu.memory_space<vmem_shared>> -> memref<10112x8xf32, #tpu.memory_space<vmem_shared>>
      tpu.wait_indirect_dma semaphore(%arg28 : memref<!tpu.dma_semaphore, #tpu.memory_space<semaphore_mem>>) src(%arg12 : memref<80x8xf32, #tpu.memory_space<vmem>>) dst(%dma_wait3A_538 : memref<10112x8xf32, #tpu.memory_space<vmem_shared>>)
      %add3A_539 = arith.constant 1 : i32
      %add3A_540 = arith.addi %add3A_524, %add3A_539 : i32
      %add3A_541 = arith.addi %mul3A_4, %add3A_540 : i32
      %dma_start3A_542 = arith.constant 0 : i32
      %dma_start3A_543 = arith.constant 0 : i32
      %dma_start3A_544 = tpu.memref_slice %arg3[%add3A_541, %dma_start3A_542, %dma_start3A_543] : memref<4000x2x80xi32, #tpu.memory_space<hbm>> -> memref<1x2x80xi32, #tpu.memory_space<hbm>>
      %dma_start3A_545 = tpu.memref_squeeze %dma_start3A_544 : memref<1x2x80xi32, #tpu.memory_space<hbm>> -> memref<2x80xi32, #tpu.memory_space<hbm>>
      %dma_start3A_546 = arith.constant 0 : i32
      %dma_start3A_547 = arith.constant 0 : i32
      %dma_start3A_548 = tpu.memref_slice %arg3[%add3A_541, %dma_start3A_546, %dma_start3A_547] : memref<4000x2x80xi32, #tpu.memory_space<hbm>> -> memref<1x2x80xi32, #tpu.memory_space<hbm>>
      %dma_start3A_549 = tpu.memref_squeeze %dma_start3A_548 : memref<1x2x80xi32, #tpu.memory_space<hbm>> -> memref<2x80xi32, #tpu.memory_space<hbm>>
      tpu.enqueue_dma source(%dma_start3A_549 : memref<2x80xi32, #tpu.memory_space<hbm>>) target(%arg16 : memref<2x80xi32, #tpu.memory_space<vmem>>) target_semaphore(%arg32 : memref<!tpu.dma_semaphore, #tpu.memory_space<semaphore_mem>>)
      %add3A_550 = arith.addi %mul3A_4, %add3A_524 : i32
      %dma_wait3A_551 = arith.constant 0 : i32
      %dma_wait3A_552 = arith.constant 0 : i32
      %dma_wait3A_553 = tpu.memref_slice %arg3[%add3A_550, %dma_wait3A_551, %dma_wait3A_552] : memref<4000x2x80xi32, #tpu.memory_space<hbm>> -> memref<1x2x80xi32, #tpu.memory_space<hbm>>
      %dma_wait3A_554 = tpu.memref_squeeze %dma_wait3A_553 : memref<1x2x80xi32, #tpu.memory_space<hbm>> -> memref<2x80xi32, #tpu.memory_space<hbm>>
      %dma_wait3A_555 = arith.constant 0 : i32
      %dma_wait3A_556 = arith.constant 0 : i32
      %dma_wait3A_557 = tpu.memref_slice %arg3[%add3A_550, %dma_wait3A_555, %dma_wait3A_556] : memref<4000x2x80xi32, #tpu.memory_space<hbm>> -> memref<1x2x80xi32, #tpu.memory_space<hbm>>
      %dma_wait3A_558 = tpu.memref_squeeze %dma_wait3A_557 : memref<1x2x80xi32, #tpu.memory_space<hbm>> -> memref<2x80xi32, #tpu.memory_space<hbm>>
      tpu.wait_dma2 semaphore(%arg31 : memref<!tpu.dma_semaphore, #tpu.memory_space<semaphore_mem>>) src(%dma_wait3A_558 : memref<2x80xi32, #tpu.memory_space<hbm>>) dst(%arg15 : memref<2x80xi32, #tpu.memory_space<vmem>>)
      %dma_start3A_559 = arith.constant 0 : i32
      %dma_start3A_560 = arith.constant 0 : i32
      %dma_start3A_561 = tpu.memref_slice %arg15[%dma_start3A_559, %dma_start3A_560] : memref<2x80xi32, #tpu.memory_space<vmem>> -> memref<1x80xi32, #tpu.memory_space<vmem>>
      %dma_start3A_562 = tpu.memref_squeeze %dma_start3A_561 : memref<1x80xi32, #tpu.memory_space<vmem>> -> memref<80xi32, #tpu.memory_space<vmem>>
      %dma_start3A_563 = arith.constant 0 : i32
      %dma_start3A_564 = arith.constant 0 : i32
      %dma_start3A_565 = tpu.memref_slice %arg2[%dma_start3A_563, %dma_start3A_564] : memref<10000x128xf32, #tpu.memory_space<hbm>> -> memref<10000x128xf32, #tpu.memory_space<hbm>>
      tpu.enqueue_indirect_dma source(%dma_start3A_565 : memref<10000x128xf32, #tpu.memory_space<hbm>>) target(%arg19 : memref<80x128xf32, #tpu.memory_space<vmem>>) offsets(%dma_start3A_562 : memref<80xi32, #tpu.memory_space<vmem>>) semaphore(%arg23 : memref<!tpu.dma_semaphore, #tpu.memory_space<semaphore_mem>>)
      %dma_wait3A_566 = arith.constant 0 : i32
      %dma_wait3A_567 = arith.constant 0 : i32
      %dma_wait3A_568 = tpu.memref_slice %arg13[%dma_wait3A_566, %dma_wait3A_567] : memref<2x80xi32, #tpu.memory_space<vmem>> -> memref<1x80xi32, #tpu.memory_space<vmem>>
      %dma_wait3A_569 = tpu.memref_squeeze %dma_wait3A_568 : memref<1x80xi32, #tpu.memory_space<vmem>> -> memref<80xi32, #tpu.memory_space<vmem>>
      %dma_wait3A_570 = arith.constant 0 : i32
      %dma_wait3A_571 = arith.constant 0 : i32
      %dma_wait3A_572 = tpu.memref_slice %arg2[%dma_wait3A_570, %dma_wait3A_571] : memref<10000x128xf32, #tpu.memory_space<hbm>> -> memref<10000x128xf32, #tpu.memory_space<hbm>>
      tpu.wait_indirect_dma semaphore(%arg21 : memref<!tpu.dma_semaphore, #tpu.memory_space<semaphore_mem>>) src(%dma_wait3A_572 : memref<10000x128xf32, #tpu.memory_space<hbm>>) dst(%arg17 : memref<80x128xf32, #tpu.memory_space<vmem>>)
      %dma_start3A_573 = arith.constant 1 : i32
      %dma_start3A_574 = arith.constant 0 : i32
      %dma_start3A_575 = tpu.memref_slice %arg13[%dma_start3A_573, %dma_start3A_574] : memref<2x80xi32, #tpu.memory_space<vmem>> -> memref<1x80xi32, #tpu.memory_space<vmem>>
      %dma_start3A_576 = tpu.memref_squeeze %dma_start3A_575 : memref<1x80xi32, #tpu.memory_space<vmem>> -> memref<80xi32, #tpu.memory_space<vmem>>
      %dma_start3A_577 = arith.constant 0 : i32
      %dma_start3A_578 = arith.constant 0 : i32
      %dma_start3A_579 = tpu.memref_slice %arg10[%dma_start3A_577, %dma_start3A_578] : memref<10112x128xf32, #tpu.memory_space<vmem_shared>> -> memref<10112x128xf32, #tpu.memory_space<vmem_shared>>
      tpu.enqueue_indirect_dma source(%arg17 : memref<80x128xf32, #tpu.memory_space<vmem>>) target(%dma_start3A_579 : memref<10112x128xf32, #tpu.memory_space<vmem_shared>>) offsets(%dma_start3A_576 : memref<80xi32, #tpu.memory_space<vmem>>) semaphore(%arg25 : memref<!tpu.dma_semaphore, #tpu.memory_space<semaphore_mem>>) {add = true}
      %dma_start3A_580 = arith.constant 1 : i32
      %dma_start3A_581 = arith.constant 0 : i32
      %dma_start3A_582 = tpu.memref_slice %arg13[%dma_start3A_580, %dma_start3A_581] : memref<2x80xi32, #tpu.memory_space<vmem>> -> memref<1x80xi32, #tpu.memory_space<vmem>>
      %dma_start3A_583 = tpu.memref_squeeze %dma_start3A_582 : memref<1x80xi32, #tpu.memory_space<vmem>> -> memref<80xi32, #tpu.memory_space<vmem>>
      %dma_start3A_584 = arith.constant 0 : i32
      %dma_start3A_585 = arith.constant 0 : i32
      %dma_start3A_586 = tpu.memref_slice %arg11[%dma_start3A_584, %dma_start3A_585] : memref<10112x8xf32, #tpu.memory_space<vmem_shared>> -> memref<10112x8xf32, #tpu.memory_space<vmem_shared>>
      tpu.enqueue_indirect_dma source(%arg12 : memref<80x8xf32, #tpu.memory_space<vmem>>) target(%dma_start3A_586 : memref<10112x8xf32, #tpu.memory_space<vmem_shared>>) offsets(%dma_start3A_583 : memref<80xi32, #tpu.memory_space<vmem>>) semaphore(%arg25 : memref<!tpu.dma_semaphore, #tpu.memory_space<semaphore_mem>>) {add = true}
    }
    %scan3A_119 = arith.constant 30 : i32
    %dma_wait3A_120 = arith.constant 1 : i32
    %dma_wait3A_121 = arith.constant 0 : i32
    %dma_wait3A_122 = tpu.memref_slice %arg13[%dma_wait3A_120, %dma_wait3A_121] : memref<2x80xi32, #tpu.memory_space<vmem>> -> memref<1x80xi32, #tpu.memory_space<vmem>>
    %dma_wait3A_123 = tpu.memref_squeeze %dma_wait3A_122 : memref<1x80xi32, #tpu.memory_space<vmem>> -> memref<80xi32, #tpu.memory_space<vmem>>
    %dma_wait3A_124 = arith.constant 0 : i32
    %dma_wait3A_125 = arith.constant 0 : i32
    %dma_wait3A_126 = tpu.memref_slice %arg10[%dma_wait3A_124, %dma_wait3A_125] : memref<10112x128xf32, #tpu.memory_space<vmem_shared>> -> memref<10112x128xf32, #tpu.memory_space<vmem_shared>>
    tpu.wait_indirect_dma semaphore(%arg25 : memref<!tpu.dma_semaphore, #tpu.memory_space<semaphore_mem>>) src(%arg17 : memref<80x128xf32, #tpu.memory_space<vmem>>) dst(%dma_wait3A_126 : memref<10112x128xf32, #tpu.memory_space<vmem_shared>>)
    %dma_wait3A_127 = arith.constant 1 : i32
    %dma_wait3A_128 = arith.constant 0 : i32
    %dma_wait3A_129 = tpu.memref_slice %arg13[%dma_wait3A_127, %dma_wait3A_128] : memref<2x80xi32, #tpu.memory_space<vmem>> -> memref<1x80xi32, #tpu.memory_space<vmem>>
    %dma_wait3A_130 = tpu.memref_squeeze %dma_wait3A_129 : memref<1x80xi32, #tpu.memory_space<vmem>> -> memref<80xi32, #tpu.memory_space<vmem>>
    %dma_wait3A_131 = arith.constant 0 : i32
    %dma_wait3A_132 = arith.constant 0 : i32
    %dma_wait3A_133 = tpu.memref_slice %arg11[%dma_wait3A_131, %dma_wait3A_132] : memref<10112x8xf32, #tpu.memory_space<vmem_shared>> -> memref<10112x8xf32, #tpu.memory_space<vmem_shared>>
    tpu.wait_indirect_dma semaphore(%arg25 : memref<!tpu.dma_semaphore, #tpu.memory_space<semaphore_mem>>) src(%arg12 : memref<80x8xf32, #tpu.memory_space<vmem>>) dst(%dma_wait3A_133 : memref<10112x8xf32, #tpu.memory_space<vmem_shared>>)
    %add3A_134 = arith.constant 124 : i32
    %add3A_135 = arith.addi %mul3A_4, %add3A_134 : i32
    %dma_start3A_136 = arith.constant 0 : i32
    %dma_start3A_137 = arith.constant 0 : i32
    %dma_start3A_138 = tpu.memref_slice %arg3[%add3A_135, %dma_start3A_136, %dma_start3A_137] : memref<4000x2x80xi32, #tpu.memory_space<hbm>> -> memref<1x2x80xi32, #tpu.memory_space<hbm>>
    %dma_start3A_139 = tpu.memref_squeeze %dma_start3A_138 : memref<1x2x80xi32, #tpu.memory_space<hbm>> -> memref<2x80xi32, #tpu.memory_space<hbm>>
    %dma_start3A_140 = arith.constant 0 : i32
    %dma_start3A_141 = arith.constant 0 : i32
    %dma_start3A_142 = tpu.memref_slice %arg3[%add3A_135, %dma_start3A_140, %dma_start3A_141] : memref<4000x2x80xi32, #tpu.memory_space<hbm>> -> memref<1x2x80xi32, #tpu.memory_space<hbm>>
    %dma_start3A_143 = tpu.memref_squeeze %dma_start3A_142 : memref<1x2x80xi32, #tpu.memory_space<hbm>> -> memref<2x80xi32, #tpu.memory_space<hbm>>
    tpu.enqueue_dma source(%dma_start3A_143 : memref<2x80xi32, #tpu.memory_space<hbm>>) target(%arg13 : memref<2x80xi32, #tpu.memory_space<vmem>>) target_semaphore(%arg29 : memref<!tpu.dma_semaphore, #tpu.memory_space<semaphore_mem>>)
    %add3A_144 = arith.constant 123 : i32
    %add3A_145 = arith.addi %mul3A_4, %add3A_144 : i32
    %dma_wait3A_146 = arith.constant 0 : i32
    %dma_wait3A_147 = arith.constant 0 : i32
    %dma_wait3A_148 = tpu.memref_slice %arg3[%add3A_145, %dma_wait3A_146, %dma_wait3A_147] : memref<4000x2x80xi32, #tpu.memory_space<hbm>> -> memref<1x2x80xi32, #tpu.memory_space<hbm>>
    %dma_wait3A_149 = tpu.memref_squeeze %dma_wait3A_148 : memref<1x2x80xi32, #tpu.memory_space<hbm>> -> memref<2x80xi32, #tpu.memory_space<hbm>>
    %dma_wait3A_150 = arith.constant 0 : i32
    %dma_wait3A_151 = arith.constant 0 : i32
    %dma_wait3A_152 = tpu.memref_slice %arg3[%add3A_145, %dma_wait3A_150, %dma_wait3A_151] : memref<4000x2x80xi32, #tpu.memory_space<hbm>> -> memref<1x2x80xi32, #tpu.memory_space<hbm>>
    %dma_wait3A_153 = tpu.memref_squeeze %dma_wait3A_152 : memref<1x2x80xi32, #tpu.memory_space<hbm>> -> memref<2x80xi32, #tpu.memory_space<hbm>>
    tpu.wait_dma2 semaphore(%arg32 : memref<!tpu.dma_semaphore, #tpu.memory_space<semaphore_mem>>) src(%dma_wait3A_153 : memref<2x80xi32, #tpu.memory_space<hbm>>) dst(%arg16 : memref<2x80xi32, #tpu.memory_space<vmem>>)
    %dma_start3A_154 = arith.constant 0 : i32
    %dma_start3A_155 = arith.constant 0 : i32
    %dma_start3A_156 = tpu.memref_slice %arg16[%dma_start3A_154, %dma_start3A_155] : memref<2x80xi32, #tpu.memory_space<vmem>> -> memref<1x80xi32, #tpu.memory_space<vmem>>
    %dma_start3A_157 = tpu.memref_squeeze %dma_start3A_156 : memref<1x80xi32, #tpu.memory_space<vmem>> -> memref<80xi32, #tpu.memory_space<vmem>>
    %dma_start3A_158 = arith.constant 0 : i32
    %dma_start3A_159 = arith.constant 0 : i32
    %dma_start3A_160 = tpu.memref_slice %arg2[%dma_start3A_158, %dma_start3A_159] : memref<10000x128xf32, #tpu.memory_space<hbm>> -> memref<10000x128xf32, #tpu.memory_space<hbm>>
    tpu.enqueue_indirect_dma source(%dma_start3A_160 : memref<10000x128xf32, #tpu.memory_space<hbm>>) target(%arg20 : memref<80x128xf32, #tpu.memory_space<vmem>>) offsets(%dma_start3A_157 : memref<80xi32, #tpu.memory_space<vmem>>) semaphore(%arg24 : memref<!tpu.dma_semaphore, #tpu.memory_space<semaphore_mem>>)
    %dma_wait3A_161 = arith.constant 0 : i32
    %dma_wait3A_162 = arith.constant 0 : i32
    %dma_wait3A_163 = tpu.memref_slice %arg14[%dma_wait3A_161, %dma_wait3A_162] : memref<2x80xi32, #tpu.memory_space<vmem>> -> memref<1x80xi32, #tpu.memory_space<vmem>>
    %dma_wait3A_164 = tpu.memref_squeeze %dma_wait3A_163 : memref<1x80xi32, #tpu.memory_space<vmem>> -> memref<80xi32, #tpu.memory_space<vmem>>
    %dma_wait3A_165 = arith.constant 0 : i32
    %dma_wait3A_166 = arith.constant 0 : i32
    %dma_wait3A_167 = tpu.memref_slice %arg2[%dma_wait3A_165, %dma_wait3A_166] : memref<10000x128xf32, #tpu.memory_space<hbm>> -> memref<10000x128xf32, #tpu.memory_space<hbm>>
    tpu.wait_indirect_dma semaphore(%arg22 : memref<!tpu.dma_semaphore, #tpu.memory_space<semaphore_mem>>) src(%dma_wait3A_167 : memref<10000x128xf32, #tpu.memory_space<hbm>>) dst(%arg18 : memref<80x128xf32, #tpu.memory_space<vmem>>)
    %dma_start3A_168 = arith.constant 1 : i32
    %dma_start3A_169 = arith.constant 0 : i32
    %dma_start3A_170 = tpu.memref_slice %arg14[%dma_start3A_168, %dma_start3A_169] : memref<2x80xi32, #tpu.memory_space<vmem>> -> memref<1x80xi32, #tpu.memory_space<vmem>>
    %dma_start3A_171 = tpu.memref_squeeze %dma_start3A_170 : memref<1x80xi32, #tpu.memory_space<vmem>> -> memref<80xi32, #tpu.memory_space<vmem>>
    %dma_start3A_172 = arith.constant 0 : i32
    %dma_start3A_173 = arith.constant 0 : i32
    %dma_start3A_174 = tpu.memref_slice %arg10[%dma_start3A_172, %dma_start3A_173] : memref<10112x128xf32, #tpu.memory_space<vmem_shared>> -> memref<10112x128xf32, #tpu.memory_space<vmem_shared>>
    tpu.enqueue_indirect_dma source(%arg18 : memref<80x128xf32, #tpu.memory_space<vmem>>) target(%dma_start3A_174 : memref<10112x128xf32, #tpu.memory_space<vmem_shared>>) offsets(%dma_start3A_171 : memref<80xi32, #tpu.memory_space<vmem>>) semaphore(%arg26 : memref<!tpu.dma_semaphore, #tpu.memory_space<semaphore_mem>>) {add = true}
    %dma_start3A_175 = arith.constant 1 : i32
    %dma_start3A_176 = arith.constant 0 : i32
    %dma_start3A_177 = tpu.memref_slice %arg14[%dma_start3A_175, %dma_start3A_176] : memref<2x80xi32, #tpu.memory_space<vmem>> -> memref<1x80xi32, #tpu.memory_space<vmem>>
    %dma_start3A_178 = tpu.memref_squeeze %dma_start3A_177 : memref<1x80xi32, #tpu.memory_space<vmem>> -> memref<80xi32, #tpu.memory_space<vmem>>
    %dma_start3A_179 = arith.constant 0 : i32
    %dma_start3A_180 = arith.constant 0 : i32
    %dma_start3A_181 = tpu.memref_slice %arg11[%dma_start3A_179, %dma_start3A_180] : memref<10112x8xf32, #tpu.memory_space<vmem_shared>> -> memref<10112x8xf32, #tpu.memory_space<vmem_shared>>
    tpu.enqueue_indirect_dma source(%arg12 : memref<80x8xf32, #tpu.memory_space<vmem>>) target(%dma_start3A_181 : memref<10112x8xf32, #tpu.memory_space<vmem_shared>>) offsets(%dma_start3A_178 : memref<80xi32, #tpu.memory_space<vmem>>) semaphore(%arg26 : memref<!tpu.dma_semaphore, #tpu.memory_space<semaphore_mem>>) {add = true}
    %dma_wait3A_182 = arith.constant 1 : i32
    %dma_wait3A_183 = arith.constant 0 : i32
    %dma_wait3A_184 = tpu.memref_slice %arg14[%dma_wait3A_182, %dma_wait3A_183] : memref<2x80xi32, #tpu.memory_space<vmem>> -> memref<1x80xi32, #tpu.memory_space<vmem>>
    %dma_wait3A_185 = tpu.memref_squeeze %dma_wait3A_184 : memref<1x80xi32, #tpu.memory_space<vmem>> -> memref<80xi32, #tpu.memory_space<vmem>>
    %dma_wait3A_186 = arith.constant 0 : i32
    %dma_wait3A_187 = arith.constant 0 : i32
    %dma_wait3A_188 = tpu.memref_slice %arg10[%dma_wait3A_186, %dma_wait3A_187] : memref<10112x128xf32, #tpu.memory_space<vmem_shared>> -> memref<10112x128xf32, #tpu.memory_space<vmem_shared>>
    tpu.wait_indirect_dma semaphore(%arg26 : memref<!tpu.dma_semaphore, #tpu.memory_space<semaphore_mem>>) src(%arg18 : memref<80x128xf32, #tpu.memory_space<vmem>>) dst(%dma_wait3A_188 : memref<10112x128xf32, #tpu.memory_space<vmem_shared>>)
    %dma_wait3A_189 = arith.constant 1 : i32
    %dma_wait3A_190 = arith.constant 0 : i32
    %dma_wait3A_191 = tpu.memref_slice %arg14[%dma_wait3A_189, %dma_wait3A_190] : memref<2x80xi32, #tpu.memory_space<vmem>> -> memref<1x80xi32, #tpu.memory_space<vmem>>
    %dma_wait3A_192 = tpu.memref_squeeze %dma_wait3A_191 : memref<1x80xi32, #tpu.memory_space<vmem>> -> memref<80xi32, #tpu.memory_space<vmem>>
    %dma_wait3A_193 = arith.constant 0 : i32
    %dma_wait3A_194 = arith.constant 0 : i32
    %dma_wait3A_195 = tpu.memref_slice %arg11[%dma_wait3A_193, %dma_wait3A_194] : memref<10112x8xf32, #tpu.memory_space<vmem_shared>> -> memref<10112x8xf32, #tpu.memory_space<vmem_shared>>
    tpu.wait_indirect_dma semaphore(%arg26 : memref<!tpu.dma_semaphore, #tpu.memory_space<semaphore_mem>>) src(%arg12 : memref<80x8xf32, #tpu.memory_space<vmem>>) dst(%dma_wait3A_195 : memref<10112x8xf32, #tpu.memory_space<vmem_shared>>)
    %add3A_196 = arith.constant 124 : i32
    %add3A_197 = arith.addi %mul3A_4, %add3A_196 : i32
    %dma_wait3A_198 = arith.constant 0 : i32
    %dma_wait3A_199 = arith.constant 0 : i32
    %dma_wait3A_200 = tpu.memref_slice %arg3[%add3A_197, %dma_wait3A_198, %dma_wait3A_199] : memref<4000x2x80xi32, #tpu.memory_space<hbm>> -> memref<1x2x80xi32, #tpu.memory_space<hbm>>
    %dma_wait3A_201 = tpu.memref_squeeze %dma_wait3A_200 : memref<1x2x80xi32, #tpu.memory_space<hbm>> -> memref<2x80xi32, #tpu.memory_space<hbm>>
    %dma_wait3A_202 = arith.constant 0 : i32
    %dma_wait3A_203 = arith.constant 0 : i32
    %dma_wait3A_204 = tpu.memref_slice %arg3[%add3A_197, %dma_wait3A_202, %dma_wait3A_203] : memref<4000x2x80xi32, #tpu.memory_space<hbm>> -> memref<1x2x80xi32, #tpu.memory_space<hbm>>
    %dma_wait3A_205 = tpu.memref_squeeze %dma_wait3A_204 : memref<1x2x80xi32, #tpu.memory_space<hbm>> -> memref<2x80xi32, #tpu.memory_space<hbm>>
    tpu.wait_dma2 semaphore(%arg29 : memref<!tpu.dma_semaphore, #tpu.memory_space<semaphore_mem>>) src(%dma_wait3A_205 : memref<2x80xi32, #tpu.memory_space<hbm>>) dst(%arg13 : memref<2x80xi32, #tpu.memory_space<vmem>>)
    %dma_start3A_206 = arith.constant 0 : i32
    %dma_start3A_207 = arith.constant 0 : i32
    %dma_start3A_208 = tpu.memref_slice %arg13[%dma_start3A_206, %dma_start3A_207] : memref<2x80xi32, #tpu.memory_space<vmem>> -> memref<1x80xi32, #tpu.memory_space<vmem>>
    %dma_start3A_209 = tpu.memref_squeeze %dma_start3A_208 : memref<1x80xi32, #tpu.memory_space<vmem>> -> memref<80xi32, #tpu.memory_space<vmem>>
    %dma_start3A_210 = arith.constant 0 : i32
    %dma_start3A_211 = arith.constant 0 : i32
    %dma_start3A_212 = tpu.memref_slice %arg2[%dma_start3A_210, %dma_start3A_211] : memref<10000x128xf32, #tpu.memory_space<hbm>> -> memref<10000x128xf32, #tpu.memory_space<hbm>>
    tpu.enqueue_indirect_dma source(%dma_start3A_212 : memref<10000x128xf32, #tpu.memory_space<hbm>>) target(%arg17 : memref<80x128xf32, #tpu.memory_space<vmem>>) offsets(%dma_start3A_209 : memref<80xi32, #tpu.memory_space<vmem>>) semaphore(%arg21 : memref<!tpu.dma_semaphore, #tpu.memory_space<semaphore_mem>>)
    %dma_wait3A_213 = arith.constant 0 : i32
    %dma_wait3A_214 = arith.constant 0 : i32
    %dma_wait3A_215 = tpu.memref_slice %arg15[%dma_wait3A_213, %dma_wait3A_214] : memref<2x80xi32, #tpu.memory_space<vmem>> -> memref<1x80xi32, #tpu.memory_space<vmem>>
    %dma_wait3A_216 = tpu.memref_squeeze %dma_wait3A_215 : memref<1x80xi32, #tpu.memory_space<vmem>> -> memref<80xi32, #tpu.memory_space<vmem>>
    %dma_wait3A_217 = arith.constant 0 : i32
    %dma_wait3A_218 = arith.constant 0 : i32
    %dma_wait3A_219 = tpu.memref_slice %arg2[%dma_wait3A_217, %dma_wait3A_218] : memref<10000x128xf32, #tpu.memory_space<hbm>> -> memref<10000x128xf32, #tpu.memory_space<hbm>>
    tpu.wait_indirect_dma semaphore(%arg23 : memref<!tpu.dma_semaphore, #tpu.memory_space<semaphore_mem>>) src(%dma_wait3A_219 : memref<10000x128xf32, #tpu.memory_space<hbm>>) dst(%arg19 : memref<80x128xf32, #tpu.memory_space<vmem>>)
    %dma_start3A_220 = arith.constant 1 : i32
    %dma_start3A_221 = arith.constant 0 : i32
    %dma_start3A_222 = tpu.memref_slice %arg15[%dma_start3A_220, %dma_start3A_221] : memref<2x80xi32, #tpu.memory_space<vmem>> -> memref<1x80xi32, #tpu.memory_space<vmem>>
    %dma_start3A_223 = tpu.memref_squeeze %dma_start3A_222 : memref<1x80xi32, #tpu.memory_space<vmem>> -> memref<80xi32, #tpu.memory_space<vmem>>
    %dma_start3A_224 = arith.constant 0 : i32
    %dma_start3A_225 = arith.constant 0 : i32
    %dma_start3A_226 = tpu.memref_slice %arg10[%dma_start3A_224, %dma_start3A_225] : memref<10112x128xf32, #tpu.memory_space<vmem_shared>> -> memref<10112x128xf32, #tpu.memory_space<vmem_shared>>
    tpu.enqueue_indirect_dma source(%arg19 : memref<80x128xf32, #tpu.memory_space<vmem>>) target(%dma_start3A_226 : memref<10112x128xf32, #tpu.memory_space<vmem_shared>>) offsets(%dma_start3A_223 : memref<80xi32, #tpu.memory_space<vmem>>) semaphore(%arg27 : memref<!tpu.dma_semaphore, #tpu.memory_space<semaphore_mem>>) {add = true}
    %dma_start3A_227 = arith.constant 1 : i32
    %dma_start3A_228 = arith.constant 0 : i32
    %dma_start3A_229 = tpu.memref_slice %arg15[%dma_start3A_227, %dma_start3A_228] : memref<2x80xi32, #tpu.memory_space<vmem>> -> memref<1x80xi32, #tpu.memory_space<vmem>>
    %dma_start3A_230 = tpu.memref_squeeze %dma_start3A_229 : memref<1x80xi32, #tpu.memory_space<vmem>> -> memref<80xi32, #tpu.memory_space<vmem>>
    %dma_start3A_231 = arith.constant 0 : i32
    %dma_start3A_232 = arith.constant 0 : i32
    %dma_start3A_233 = tpu.memref_slice %arg11[%dma_start3A_231, %dma_start3A_232] : memref<10112x8xf32, #tpu.memory_space<vmem_shared>> -> memref<10112x8xf32, #tpu.memory_space<vmem_shared>>
    tpu.enqueue_indirect_dma source(%arg12 : memref<80x8xf32, #tpu.memory_space<vmem>>) target(%dma_start3A_233 : memref<10112x8xf32, #tpu.memory_space<vmem_shared>>) offsets(%dma_start3A_230 : memref<80xi32, #tpu.memory_space<vmem>>) semaphore(%arg27 : memref<!tpu.dma_semaphore, #tpu.memory_space<semaphore_mem>>) {add = true}
    %dma_wait3A_234 = arith.constant 0 : i32
    %dma_wait3A_235 = arith.constant 0 : i32
    %dma_wait3A_236 = tpu.memref_slice %arg16[%dma_wait3A_234, %dma_wait3A_235] : memref<2x80xi32, #tpu.memory_space<vmem>> -> memref<1x80xi32, #tpu.memory_space<vmem>>
    %dma_wait3A_237 = tpu.memref_squeeze %dma_wait3A_236 : memref<1x80xi32, #tpu.memory_space<vmem>> -> memref<80xi32, #tpu.memory_space<vmem>>
    %dma_wait3A_238 = arith.constant 0 : i32
    %dma_wait3A_239 = arith.constant 0 : i32
    %dma_wait3A_240 = tpu.memref_slice %arg2[%dma_wait3A_238, %dma_wait3A_239] : memref<10000x128xf32, #tpu.memory_space<hbm>> -> memref<10000x128xf32, #tpu.memory_space<hbm>>
    tpu.wait_indirect_dma semaphore(%arg24 : memref<!tpu.dma_semaphore, #tpu.memory_space<semaphore_mem>>) src(%dma_wait3A_240 : memref<10000x128xf32, #tpu.memory_space<hbm>>) dst(%arg20 : memref<80x128xf32, #tpu.memory_space<vmem>>)
    %dma_start3A_241 = arith.constant 1 : i32
    %dma_start3A_242 = arith.constant 0 : i32
    %dma_start3A_243 = tpu.memref_slice %arg16[%dma_start3A_241, %dma_start3A_242] : memref<2x80xi32, #tpu.memory_space<vmem>> -> memref<1x80xi32, #tpu.memory_space<vmem>>
    %dma_start3A_244 = tpu.memref_squeeze %dma_start3A_243 : memref<1x80xi32, #tpu.memory_space<vmem>> -> memref<80xi32, #tpu.memory_space<vmem>>
    %dma_start3A_245 = arith.constant 0 : i32
    %dma_start3A_246 = arith.constant 0 : i32
    %dma_start3A_247 = tpu.memref_slice %arg10[%dma_start3A_245, %dma_start3A_246] : memref<10112x128xf32, #tpu.memory_space<vmem_shared>> -> memref<10112x128xf32, #tpu.memory_space<vmem_shared>>
    tpu.enqueue_indirect_dma source(%arg20 : memref<80x128xf32, #tpu.memory_space<vmem>>) target(%dma_start3A_247 : memref<10112x128xf32, #tpu.memory_space<vmem_shared>>) offsets(%dma_start3A_244 : memref<80xi32, #tpu.memory_space<vmem>>) semaphore(%arg28 : memref<!tpu.dma_semaphore, #tpu.memory_space<semaphore_mem>>) {add = true}
    %dma_start3A_248 = arith.constant 1 : i32
    %dma_start3A_249 = arith.constant 0 : i32
    %dma_start3A_250 = tpu.memref_slice %arg16[%dma_start3A_248, %dma_start3A_249] : memref<2x80xi32, #tpu.memory_space<vmem>> -> memref<1x80xi32, #tpu.memory_space<vmem>>
    %dma_start3A_251 = tpu.memref_squeeze %dma_start3A_250 : memref<1x80xi32, #tpu.memory_space<vmem>> -> memref<80xi32, #tpu.memory_space<vmem>>
    %dma_start3A_252 = arith.constant 0 : i32
    %dma_start3A_253 = arith.constant 0 : i32
    %dma_start3A_254 = tpu.memref_slice %arg11[%dma_start3A_252, %dma_start3A_253] : memref<10112x8xf32, #tpu.memory_space<vmem_shared>> -> memref<10112x8xf32, #tpu.memory_space<vmem_shared>>
    tpu.enqueue_indirect_dma source(%arg12 : memref<80x8xf32, #tpu.memory_space<vmem>>) target(%dma_start3A_254 : memref<10112x8xf32, #tpu.memory_space<vmem_shared>>) offsets(%dma_start3A_251 : memref<80xi32, #tpu.memory_space<vmem>>) semaphore(%arg28 : memref<!tpu.dma_semaphore, #tpu.memory_space<semaphore_mem>>) {add = true}
    %dma_wait3A_255 = arith.constant 0 : i32
    %dma_wait3A_256 = arith.constant 0 : i32
    %dma_wait3A_257 = tpu.memref_slice %arg13[%dma_wait3A_255, %dma_wait3A_256] : memref<2x80xi32, #tpu.memory_space<vmem>> -> memref<1x80xi32, #tpu.memory_space<vmem>>
    %dma_wait3A_258 = tpu.memref_squeeze %dma_wait3A_257 : memref<1x80xi32, #tpu.memory_space<vmem>> -> memref<80xi32, #tpu.memory_space<vmem>>
    %dma_wait3A_259 = arith.constant 0 : i32
    %dma_wait3A_260 = arith.constant 0 : i32
    %dma_wait3A_261 = tpu.memref_slice %arg2[%dma_wait3A_259, %dma_wait3A_260] : memref<10000x128xf32, #tpu.memory_space<hbm>> -> memref<10000x128xf32, #tpu.memory_space<hbm>>
    tpu.wait_indirect_dma semaphore(%arg21 : memref<!tpu.dma_semaphore, #tpu.memory_space<semaphore_mem>>) src(%dma_wait3A_261 : memref<10000x128xf32, #tpu.memory_space<hbm>>) dst(%arg17 : memref<80x128xf32, #tpu.memory_space<vmem>>)
    %dma_start3A_262 = arith.constant 1 : i32
    %dma_start3A_263 = arith.constant 0 : i32
    %dma_start3A_264 = tpu.memref_slice %arg13[%dma_start3A_262, %dma_start3A_263] : memref<2x80xi32, #tpu.memory_space<vmem>> -> memref<1x80xi32, #tpu.memory_space<vmem>>
    %dma_start3A_265 = tpu.memref_squeeze %dma_start3A_264 : memref<1x80xi32, #tpu.memory_space<vmem>> -> memref<80xi32, #tpu.memory_space<vmem>>
    %dma_start3A_266 = arith.constant 0 : i32
    %dma_start3A_267 = arith.constant 0 : i32
    %dma_start3A_268 = tpu.memref_slice %arg10[%dma_start3A_266, %dma_start3A_267] : memref<10112x128xf32, #tpu.memory_space<vmem_shared>> -> memref<10112x128xf32, #tpu.memory_space<vmem_shared>>
    tpu.enqueue_indirect_dma source(%arg17 : memref<80x128xf32, #tpu.memory_space<vmem>>) target(%dma_start3A_268 : memref<10112x128xf32, #tpu.memory_space<vmem_shared>>) offsets(%dma_start3A_265 : memref<80xi32, #tpu.memory_space<vmem>>) semaphore(%arg25 : memref<!tpu.dma_semaphore, #tpu.memory_space<semaphore_mem>>) {add = true}
    %dma_start3A_269 = arith.constant 1 : i32
    %dma_start3A_270 = arith.constant 0 : i32
    %dma_start3A_271 = tpu.memref_slice %arg13[%dma_start3A_269, %dma_start3A_270] : memref<2x80xi32, #tpu.memory_space<vmem>> -> memref<1x80xi32, #tpu.memory_space<vmem>>
    %dma_start3A_272 = tpu.memref_squeeze %dma_start3A_271 : memref<1x80xi32, #tpu.memory_space<vmem>> -> memref<80xi32, #tpu.memory_space<vmem>>
    %dma_start3A_273 = arith.constant 0 : i32
    %dma_start3A_274 = arith.constant 0 : i32
    %dma_start3A_275 = tpu.memref_slice %arg11[%dma_start3A_273, %dma_start3A_274] : memref<10112x8xf32, #tpu.memory_space<vmem_shared>> -> memref<10112x8xf32, #tpu.memory_space<vmem_shared>>
    tpu.enqueue_indirect_dma source(%arg12 : memref<80x8xf32, #tpu.memory_space<vmem>>) target(%dma_start3A_275 : memref<10112x8xf32, #tpu.memory_space<vmem_shared>>) offsets(%dma_start3A_272 : memref<80xi32, #tpu.memory_space<vmem>>) semaphore(%arg25 : memref<!tpu.dma_semaphore, #tpu.memory_space<semaphore_mem>>) {add = true}
    %dma_wait3A_276 = arith.constant 1 : i32
    %dma_wait3A_277 = arith.constant 0 : i32
    %dma_wait3A_278 = tpu.memref_slice %arg15[%dma_wait3A_276, %dma_wait3A_277] : memref<2x80xi32, #tpu.memory_space<vmem>> -> memref<1x80xi32, #tpu.memory_space<vmem>>
    %dma_wait3A_279 = tpu.memref_squeeze %dma_wait3A_278 : memref<1x80xi32, #tpu.memory_space<vmem>> -> memref<80xi32, #tpu.memory_space<vmem>>
    %dma_wait3A_280 = arith.constant 0 : i32
    %dma_wait3A_281 = arith.constant 0 : i32
    %dma_wait3A_282 = tpu.memref_slice %arg10[%dma_wait3A_280, %dma_wait3A_281] : memref<10112x128xf32, #tpu.memory_space<vmem_shared>> -> memref<10112x128xf32, #tpu.memory_space<vmem_shared>>
    tpu.wait_indirect_dma semaphore(%arg27 : memref<!tpu.dma_semaphore, #tpu.memory_space<semaphore_mem>>) src(%arg19 : memref<80x128xf32, #tpu.memory_space<vmem>>) dst(%dma_wait3A_282 : memref<10112x128xf32, #tpu.memory_space<vmem_shared>>)
    %dma_wait3A_283 = arith.constant 1 : i32
    %dma_wait3A_284 = arith.constant 0 : i32
    %dma_wait3A_285 = tpu.memref_slice %arg15[%dma_wait3A_283, %dma_wait3A_284] : memref<2x80xi32, #tpu.memory_space<vmem>> -> memref<1x80xi32, #tpu.memory_space<vmem>>
    %dma_wait3A_286 = tpu.memref_squeeze %dma_wait3A_285 : memref<1x80xi32, #tpu.memory_space<vmem>> -> memref<80xi32, #tpu.memory_space<vmem>>
    %dma_wait3A_287 = arith.constant 0 : i32
    %dma_wait3A_288 = arith.constant 0 : i32
    %dma_wait3A_289 = tpu.memref_slice %arg11[%dma_wait3A_287, %dma_wait3A_288] : memref<10112x8xf32, #tpu.memory_space<vmem_shared>> -> memref<10112x8xf32, #tpu.memory_space<vmem_shared>>
    tpu.wait_indirect_dma semaphore(%arg27 : memref<!tpu.dma_semaphore, #tpu.memory_space<semaphore_mem>>) src(%arg12 : memref<80x8xf32, #tpu.memory_space<vmem>>) dst(%dma_wait3A_289 : memref<10112x8xf32, #tpu.memory_space<vmem_shared>>)
    %dma_wait3A_290 = arith.constant 1 : i32
    %dma_wait3A_291 = arith.constant 0 : i32
    %dma_wait3A_292 = tpu.memref_slice %arg16[%dma_wait3A_290, %dma_wait3A_291] : memref<2x80xi32, #tpu.memory_space<vmem>> -> memref<1x80xi32, #tpu.memory_space<vmem>>
    %dma_wait3A_293 = tpu.memref_squeeze %dma_wait3A_292 : memref<1x80xi32, #tpu.memory_space<vmem>> -> memref<80xi32, #tpu.memory_space<vmem>>
    %dma_wait3A_294 = arith.constant 0 : i32
    %dma_wait3A_295 = arith.constant 0 : i32
    %dma_wait3A_296 = tpu.memref_slice %arg10[%dma_wait3A_294, %dma_wait3A_295] : memref<10112x128xf32, #tpu.memory_space<vmem_shared>> -> memref<10112x128xf32, #tpu.memory_space<vmem_shared>>
    tpu.wait_indirect_dma semaphore(%arg28 : memref<!tpu.dma_semaphore, #tpu.memory_space<semaphore_mem>>) src(%arg20 : memref<80x128xf32, #tpu.memory_space<vmem>>) dst(%dma_wait3A_296 : memref<10112x128xf32, #tpu.memory_space<vmem_shared>>)
    %dma_wait3A_297 = arith.constant 1 : i32
    %dma_wait3A_298 = arith.constant 0 : i32
    %dma_wait3A_299 = tpu.memref_slice %arg16[%dma_wait3A_297, %dma_wait3A_298] : memref<2x80xi32, #tpu.memory_space<vmem>> -> memref<1x80xi32, #tpu.memory_space<vmem>>
    %dma_wait3A_300 = tpu.memref_squeeze %dma_wait3A_299 : memref<1x80xi32, #tpu.memory_space<vmem>> -> memref<80xi32, #tpu.memory_space<vmem>>
    %dma_wait3A_301 = arith.constant 0 : i32
    %dma_wait3A_302 = arith.constant 0 : i32
    %dma_wait3A_303 = tpu.memref_slice %arg11[%dma_wait3A_301, %dma_wait3A_302] : memref<10112x8xf32, #tpu.memory_space<vmem_shared>> -> memref<10112x8xf32, #tpu.memory_space<vmem_shared>>
    tpu.wait_indirect_dma semaphore(%arg28 : memref<!tpu.dma_semaphore, #tpu.memory_space<semaphore_mem>>) src(%arg12 : memref<80x8xf32, #tpu.memory_space<vmem>>) dst(%dma_wait3A_303 : memref<10112x8xf32, #tpu.memory_space<vmem_shared>>)
    %dma_wait3A_304 = arith.constant 1 : i32
    %dma_wait3A_305 = arith.constant 0 : i32
    %dma_wait3A_306 = tpu.memref_slice %arg13[%dma_wait3A_304, %dma_wait3A_305] : memref<2x80xi32, #tpu.memory_space<vmem>> -> memref<1x80xi32, #tpu.memory_space<vmem>>
    %dma_wait3A_307 = tpu.memref_squeeze %dma_wait3A_306 : memref<1x80xi32, #tpu.memory_space<vmem>> -> memref<80xi32, #tpu.memory_space<vmem>>
    %dma_wait3A_308 = arith.constant 0 : i32
    %dma_wait3A_309 = arith.constant 0 : i32
    %dma_wait3A_310 = tpu.memref_slice %arg10[%dma_wait3A_308, %dma_wait3A_309] : memref<10112x128xf32, #tpu.memory_space<vmem_shared>> -> memref<10112x128xf32, #tpu.memory_space<vmem_shared>>
    tpu.wait_indirect_dma semaphore(%arg25 : memref<!tpu.dma_semaphore, #tpu.memory_space<semaphore_mem>>) src(%arg17 : memref<80x128xf32, #tpu.memory_space<vmem>>) dst(%dma_wait3A_310 : memref<10112x128xf32, #tpu.memory_space<vmem_shared>>)
    %dma_wait3A_311 = arith.constant 1 : i32
    %dma_wait3A_312 = arith.constant 0 : i32
    %dma_wait3A_313 = tpu.memref_slice %arg13[%dma_wait3A_311, %dma_wait3A_312] : memref<2x80xi32, #tpu.memory_space<vmem>> -> memref<1x80xi32, #tpu.memory_space<vmem>>
    %dma_wait3A_314 = tpu.memref_squeeze %dma_wait3A_313 : memref<1x80xi32, #tpu.memory_space<vmem>> -> memref<80xi32, #tpu.memory_space<vmem>>
    %dma_wait3A_315 = arith.constant 0 : i32
    %dma_wait3A_316 = arith.constant 0 : i32
    %dma_wait3A_317 = tpu.memref_slice %arg11[%dma_wait3A_315, %dma_wait3A_316] : memref<10112x8xf32, #tpu.memory_space<vmem_shared>> -> memref<10112x8xf32, #tpu.memory_space<vmem_shared>>
    tpu.wait_indirect_dma semaphore(%arg25 : memref<!tpu.dma_semaphore, #tpu.memory_space<semaphore_mem>>) src(%arg12 : memref<80x8xf32, #tpu.memory_space<vmem>>) dst(%dma_wait3A_317 : memref<10112x8xf32, #tpu.memory_space<vmem_shared>>)
    %barrier3A_318 = arith.constant 0 : index
    tpu.barrier barrier_id(%barrier3A_318)
    "tpu.region"() ({
      %run_scoped3A = tpu.sem_alloc : memref<!tpu.dma_semaphore, #tpu.memory_space<semaphore_mem>>
      %dma_start3A_326 = arith.constant 0 : i32
      %dma_start3A_327 = tpu.memref_slice %arg7[%arg0, %mul3A_2, %dma_start3A_326] : memref<2x10112x128xf32, #tpu.memory_space<hbm>> -> memref<1x632x128xf32, #tpu.memory_space<hbm>>
      %dma_start3A_328 = tpu.memref_squeeze %dma_start3A_327 : memref<1x632x128xf32, #tpu.memory_space<hbm>> -> memref<632x128xf32, #tpu.memory_space<hbm>>
      %dma_start3A_329 = arith.constant 0 : i32
      %dma_start3A_330 = tpu.memref_slice %arg10[%mul3A_2, %dma_start3A_329] : memref<10112x128xf32, #tpu.memory_space<vmem_shared>> -> memref<632x128xf32, #tpu.memory_space<vmem_shared>>
      tpu.enqueue_dma source(%dma_start3A_330 : memref<632x128xf32, #tpu.memory_space<vmem_shared>>) target(%dma_start3A_328 : memref<632x128xf32, #tpu.memory_space<hbm>>) target_semaphore(%run_scoped3A : memref<!tpu.dma_semaphore, #tpu.memory_space<semaphore_mem>>)
      %dma_wait3A_331 = arith.constant 0 : i32
      %dma_wait3A_332 = tpu.memref_slice %arg7[%arg0, %mul3A_2, %dma_wait3A_331] : memref<2x10112x128xf32, #tpu.memory_space<hbm>> -> memref<1x632x128xf32, #tpu.memory_space<hbm>>
      %dma_wait3A_333 = tpu.memref_squeeze %dma_wait3A_332 : memref<1x632x128xf32, #tpu.memory_space<hbm>> -> memref<632x128xf32, #tpu.memory_space<hbm>>
      %dma_wait3A_334 = arith.constant 0 : i32
      %dma_wait3A_335 = tpu.memref_slice %arg10[%mul3A_2, %dma_wait3A_334] : memref<10112x128xf32, #tpu.memory_space<vmem_shared>> -> memref<632x128xf32, #tpu.memory_space<vmem_shared>>
      tpu.wait_dma2 semaphore(%run_scoped3A : memref<!tpu.dma_semaphore, #tpu.memory_space<semaphore_mem>>) src(%dma_wait3A_335 : memref<632x128xf32, #tpu.memory_space<vmem_shared>>) dst(%dma_wait3A_333 : memref<632x128xf32, #tpu.memory_space<hbm>>)
      tpu.yield
    }) : () -> ()
    %eq3A = arith.constant 0 : i32
    %eq3A_319 = arith.cmpi eq, %arg0, %eq3A : i32
    %convert_element_type3A = arith.extui %eq3A_319 : i1 to i32
    %cond3A = arith.constant 0 : i32
    %cond3A_320 = arith.cmpi ne, %convert_element_type3A, %cond3A : i32
    scf.if %cond3A_320 {
      "tpu.region"() ({
        %run_scoped3A = tpu.sem_alloc : memref<!tpu.dma_semaphore, #tpu.memory_space<semaphore_mem>>
        %dma_start3A_326 = arith.constant 0 : i32
        %dma_start3A_327 = tpu.memref_slice %arg8[%mul3A_2, %dma_start3A_326] : memref<10112x8xf32, #tpu.memory_space<hbm>> -> memref<632x8xf32, #tpu.memory_space<hbm>>
        %dma_start3A_328 = arith.constant 0 : i32
        %dma_start3A_329 = tpu.memref_slice %arg11[%mul3A_2, %dma_start3A_328] : memref<10112x8xf32, #tpu.memory_space<vmem_shared>> -> memref<632x8xf32, #tpu.memory_space<vmem_shared>>
        tpu.enqueue_dma source(%dma_start3A_329 : memref<632x8xf32, #tpu.memory_space<vmem_shared>>) target(%dma_start3A_327 : memref<632x8xf32, #tpu.memory_space<hbm>>) target_semaphore(%run_scoped3A : memref<!tpu.dma_semaphore, #tpu.memory_space<semaphore_mem>>)
        %dma_wait3A_330 = arith.constant 0 : i32
        %dma_wait3A_331 = tpu.memref_slice %arg8[%mul3A_2, %dma_wait3A_330] : memref<10112x8xf32, #tpu.memory_space<hbm>> -> memref<632x8xf32, #tpu.memory_space<hbm>>
        %dma_wait3A_332 = arith.constant 0 : i32
        %dma_wait3A_333 = tpu.memref_slice %arg11[%mul3A_2, %dma_wait3A_332] : memref<10112x8xf32, #tpu.memory_space<vmem_shared>> -> memref<632x8xf32, #tpu.memory_space<vmem_shared>>
        tpu.wait_dma2 semaphore(%run_scoped3A : memref<!tpu.dma_semaphore, #tpu.memory_space<semaphore_mem>>) src(%dma_wait3A_333 : memref<632x8xf32, #tpu.memory_space<vmem_shared>>) dst(%dma_wait3A_331 : memref<632x8xf32, #tpu.memory_space<hbm>>)
        tpu.yield
      }) : () -> ()
    } else {
    }
    %eq3A_321 = arith.constant 1 : i32
    %eq3A_322 = arith.cmpi eq, %arg0, %eq3A_321 : i32
    %convert_element_type3A_323 = arith.extui %eq3A_322 : i1 to i32
    %cond3A_324 = arith.constant 0 : i32
    %cond3A_325 = arith.cmpi ne, %convert_element_type3A_323, %cond3A_324 : i32
    scf.if %cond3A_325 {
      "tpu.region"() ({
        %run_scoped3A = tpu.sem_alloc : memref<!tpu.dma_semaphore, #tpu.memory_space<semaphore_mem>>
        %dma_start3A_326 = arith.constant 0 : i32
        %dma_start3A_327 = tpu.memref_slice %arg9[%mul3A_2, %dma_start3A_326] : memref<10112x8xf32, #tpu.memory_space<hbm>> -> memref<632x8xf32, #tpu.memory_space<hbm>>
        %dma_start3A_328 = arith.constant 0 : i32
        %dma_start3A_329 = tpu.memref_slice %arg11[%mul3A_2, %dma_start3A_328] : memref<10112x8xf32, #tpu.memory_space<vmem_shared>> -> memref<632x8xf32, #tpu.memory_space<vmem_shared>>
        tpu.enqueue_dma source(%dma_start3A_329 : memref<632x8xf32, #tpu.memory_space<vmem_shared>>) target(%dma_start3A_327 : memref<632x8xf32, #tpu.memory_space<hbm>>) target_semaphore(%run_scoped3A : memref<!tpu.dma_semaphore, #tpu.memory_space<semaphore_mem>>)
        %dma_wait3A_330 = arith.constant 0 : i32
        %dma_wait3A_331 = tpu.memref_slice %arg9[%mul3A_2, %dma_wait3A_330] : memref<10112x8xf32, #tpu.memory_space<hbm>> -> memref<632x8xf32, #tpu.memory_space<hbm>>
        %dma_wait3A_332 = arith.constant 0 : i32
        %dma_wait3A_333 = tpu.memref_slice %arg11[%mul3A_2, %dma_wait3A_332] : memref<10112x8xf32, #tpu.memory_space<vmem_shared>> -> memref<632x8xf32, #tpu.memory_space<vmem_shared>>
        tpu.wait_dma2 semaphore(%run_scoped3A : memref<!tpu.dma_semaphore, #tpu.memory_space<semaphore_mem>>) src(%dma_wait3A_333 : memref<632x8xf32, #tpu.memory_space<vmem_shared>>) dst(%dma_wait3A_331 : memref<632x8xf32, #tpu.memory_space<hbm>>)
        tpu.yield
      }) : () -> ()
    } else {
    }
    return
  }
}

module attributes {stable_mosaic.version = 14 : i64} {
  func.func @body(%arg0: i32, %arg1: memref<1000x128xf32, #tpu.memory_space<vmem>>, %arg2: memref<1x1000x128xf32, #tpu.memory_space<vmem>>, %arg3: memref<1x1000x128xf32, #tpu.memory_space<vmem>>, %arg4: memref<1000x8xf32, #tpu.memory_space<vmem>>, %arg5: memref<1000x8xf32, #tpu.memory_space<vmem>>, %arg6: memref<128x128xf32, #tpu.memory_space<vmem>>, %arg7: memref<128x128xf32, #tpu.memory_space<vmem>>, %arg8: memref<64x128xf32, #tpu.memory_space<vmem>>, %arg9: memref<128x64xf32, #tpu.memory_space<vmem>>, %arg10: memref<16x128xf32, #tpu.memory_space<vmem>>, %arg11: memref<1x128xf32, #tpu.memory_space<vmem>>, %arg12: memref<1x64xf32, #tpu.memory_space<vmem>>, %arg13: memref<1x128xf32, #tpu.memory_space<vmem>>, %arg14: memref<1x16xf32, #tpu.memory_space<vmem>>, %arg15: memref<1000x16xf32, #tpu.memory_space<vmem>>) attributes {dimension_semantics = [#tpu.dimension_semantics<arbitrary>], iteration_bounds = array<i64: 10>, scalar_prefetch = 0 : i64, scratch_operands = 0 : i64, tpu.core_type = #tpu.core_type<tc>, window_params = [{transform_indices = @transform_0, window_bounds = array<i64: 1000, 128>}, {transform_indices = @transform_1, window_bounds = array<i64: 1, 1000, 128>}, {transform_indices = @transform_2, window_bounds = array<i64: 1, 1000, 128>}, {transform_indices = @transform_3, window_bounds = array<i64: 1000, 8>}, {transform_indices = @transform_4, window_bounds = array<i64: 1000, 8>}, {pipeline_mode = #tpu.pipeline_mode<synchronous>, transform_indices = @transform_5, window_bounds = array<i64: 128, 128>}, {pipeline_mode = #tpu.pipeline_mode<synchronous>, transform_indices = @transform_6, window_bounds = array<i64: 128, 128>}, {pipeline_mode = #tpu.pipeline_mode<synchronous>, transform_indices = @transform_7, window_bounds = array<i64: 64, 128>}, {pipeline_mode = #tpu.pipeline_mode<synchronous>, transform_indices = @transform_8, window_bounds = array<i64: 128, 64>}, {pipeline_mode = #tpu.pipeline_mode<synchronous>, transform_indices = @transform_9, window_bounds = array<i64: 16, 128>}, {pipeline_mode = #tpu.pipeline_mode<synchronous>, transform_indices = @transform_10, window_bounds = array<i64: 1, 128>}, {pipeline_mode = #tpu.pipeline_mode<synchronous>, transform_indices = @transform_11, window_bounds = array<i64: 1, 64>}, {pipeline_mode = #tpu.pipeline_mode<synchronous>, transform_indices = @transform_12, window_bounds = array<i64: 1, 128>}, {pipeline_mode = #tpu.pipeline_mode<synchronous>, transform_indices = @transform_13, window_bounds = array<i64: 1, 16>}, {transform_indices = @transform_14, window_bounds = array<i64: 1000, 16>}]} {
    %get3A = arith.constant 0 : index
    %get3A_0 = arith.constant 0 : index
    %get3A_1 = arith.constant 0 : index
    %get3A_2 = vector.load %arg2[%get3A, %get3A_0, %get3A_1] : memref<1x1000x128xf32, #tpu.memory_space<vmem>>, vector<1x1000x128xf32>
    %get3A_3 = vector.shape_cast %get3A_2 : vector<1x1000x128xf32> to vector<1000x128xf32>
    %get3A_4 = arith.constant 0 : index
    %get3A_5 = arith.constant 0 : index
    %get3A_6 = arith.constant 0 : index
    %get3A_7 = vector.load %arg3[%get3A_4, %get3A_5, %get3A_6] : memref<1x1000x128xf32, #tpu.memory_space<vmem>>, vector<1x1000x128xf32>
    %get3A_8 = vector.shape_cast %get3A_7 : vector<1x1000x128xf32> to vector<1000x128xf32>
    %add3A = arith.addf %get3A_3, %get3A_8 : vector<1000x128xf32>
    %get3A_9 = arith.constant 0 : index
    %get3A_10 = arith.constant 0 : index
    %get3A_11 = vector.load %arg4[%get3A_9, %get3A_10] : memref<1000x8xf32, #tpu.memory_space<vmem>>, vector<1000x1xf32>
    %get3A_12 = arith.constant 0 : index
    %get3A_13 = arith.constant 0 : index
    %get3A_14 = vector.load %arg5[%get3A_12, %get3A_13] : memref<1000x8xf32, #tpu.memory_space<vmem>>, vector<1000x1xf32>
    %add3A_15 = arith.addf %get3A_11, %get3A_14 : vector<1000x1xf32>
    %max3A = arith.constant 1.000000e+00 : f32
    %max3A_16 = vector.broadcast %max3A : f32 to vector<1000x1xf32>
    %max3A_17 = arith.maximumf %add3A_15, %max3A_16 : vector<1000x1xf32>
    %div3A = vector.broadcast %max3A_17 : vector<1000x1xf32> to vector<1000x128xf32>
    %div3A_18 = arith.divf %add3A, %div3A : vector<1000x128xf32>
    %get3A_19 = arith.constant 0 : index
    %get3A_20 = arith.constant 0 : index
    %get3A_21 = vector.load %arg6[%get3A_19, %get3A_20] : memref<128x128xf32, #tpu.memory_space<vmem>>, vector<128x128xf32>
    %dot_general3A = arith.constant dense<0.000000e+00> : vector<1000x128xf32>
    %dot_general3A_22 = tpu.matmul %div3A_18, %get3A_21, %dot_general3A {dimension_numbers = #tpu.dot_dimension_numbers<[1], [1], [0], [0], [0, 0, 1, 0], [], []>, transpose_lhs_hint = false} : vector<1000x128xf32>, vector<128x128xf32>, vector<1000x128xf32> -> vector<1000x128xf32>
    %get3A_23 = arith.constant 0 : index
    %get3A_24 = arith.constant 0 : index
    %get3A_25 = vector.load %arg1[%get3A_23, %get3A_24] : memref<1000x128xf32, #tpu.memory_space<vmem>>, vector<1000x128xf32>
    %get3A_26 = arith.constant 0 : index
    %get3A_27 = arith.constant 0 : index
    %get3A_28 = vector.load %arg7[%get3A_26, %get3A_27] : memref<128x128xf32, #tpu.memory_space<vmem>>, vector<128x128xf32>
    %dot_general3A_29 = arith.constant dense<0.000000e+00> : vector<1000x128xf32>
    %dot_general3A_30 = tpu.matmul %get3A_25, %get3A_28, %dot_general3A_29 {dimension_numbers = #tpu.dot_dimension_numbers<[1], [1], [0], [0], [0, 0, 1, 0], [], []>, transpose_lhs_hint = false} : vector<1000x128xf32>, vector<128x128xf32>, vector<1000x128xf32> -> vector<1000x128xf32>
    %add3A_31 = arith.addf %dot_general3A_22, %dot_general3A_30 : vector<1000x128xf32>
    %get3A_32 = arith.constant 0 : index
    %get3A_33 = arith.constant 0 : index
    %get3A_34 = vector.load %arg11[%get3A_32, %get3A_33] : memref<1x128xf32, #tpu.memory_space<vmem>>, vector<1x128xf32>
    %add3A_35 = vector.broadcast %get3A_34 : vector<1x128xf32> to vector<1000x128xf32>
    %add3A_36 = arith.addf %add3A_31, %add3A_35 : vector<1000x128xf32>
    %get3A_37 = arith.constant 0 : index
    %get3A_38 = arith.constant 0 : index
    %get3A_39 = vector.load %arg8[%get3A_37, %get3A_38] : memref<64x128xf32, #tpu.memory_space<vmem>>, vector<64x128xf32>
    %dot_general3A_40 = arith.constant dense<0.000000e+00> : vector<1000x64xf32>
    %dot_general3A_41 = tpu.matmul %add3A_36, %get3A_39, %dot_general3A_40 {dimension_numbers = #tpu.dot_dimension_numbers<[1], [1], [0], [0], [0, 0, 1, 0], [], []>, transpose_lhs_hint = false} : vector<1000x128xf32>, vector<64x128xf32>, vector<1000x64xf32> -> vector<1000x64xf32>
    %get3A_42 = arith.constant 0 : index
    %get3A_43 = arith.constant 0 : index
    %get3A_44 = vector.load %arg12[%get3A_42, %get3A_43] : memref<1x64xf32, #tpu.memory_space<vmem>>, vector<1x64xf32>
    %add3A_45 = vector.broadcast %get3A_44 : vector<1x64xf32> to vector<1000x64xf32>
    %add3A_46 = arith.addf %dot_general3A_41, %add3A_45 : vector<1000x64xf32>
    %max3A_47 = arith.constant 0.000000e+00 : f32
    %max3A_48 = vector.broadcast %max3A_47 : f32 to vector<1000x64xf32>
    %max3A_49 = arith.maximumf %add3A_46, %max3A_48 : vector<1000x64xf32>
    %get3A_50 = arith.constant 0 : index
    %get3A_51 = arith.constant 0 : index
    %get3A_52 = vector.load %arg9[%get3A_50, %get3A_51] : memref<128x64xf32, #tpu.memory_space<vmem>>, vector<128x64xf32>
    %dot_general3A_53 = arith.constant dense<0.000000e+00> : vector<1000x128xf32>
    %dot_general3A_54 = tpu.matmul %max3A_49, %get3A_52, %dot_general3A_53 {dimension_numbers = #tpu.dot_dimension_numbers<[1], [1], [0], [0], [0, 0, 1, 0], [], []>, transpose_lhs_hint = false} : vector<1000x64xf32>, vector<128x64xf32>, vector<1000x128xf32> -> vector<1000x128xf32>
    %get3A_55 = arith.constant 0 : index
    %get3A_56 = arith.constant 0 : index
    %get3A_57 = vector.load %arg13[%get3A_55, %get3A_56] : memref<1x128xf32, #tpu.memory_space<vmem>>, vector<1x128xf32>
    %add3A_58 = vector.broadcast %get3A_57 : vector<1x128xf32> to vector<1000x128xf32>
    %add3A_59 = arith.addf %dot_general3A_54, %add3A_58 : vector<1000x128xf32>
    %max3A_60 = arith.constant 0.000000e+00 : f32
    %max3A_61 = vector.broadcast %max3A_60 : f32 to vector<1000x128xf32>
    %max3A_62 = arith.maximumf %add3A_59, %max3A_61 : vector<1000x128xf32>
    %get3A_63 = arith.constant 0 : index
    %get3A_64 = arith.constant 0 : index
    %get3A_65 = vector.load %arg10[%get3A_63, %get3A_64] : memref<16x128xf32, #tpu.memory_space<vmem>>, vector<16x128xf32>
    %dot_general3A_66 = arith.constant dense<0.000000e+00> : vector<1000x16xf32>
    %dot_general3A_67 = tpu.matmul %max3A_62, %get3A_65, %dot_general3A_66 {dimension_numbers = #tpu.dot_dimension_numbers<[1], [1], [0], [0], [0, 0, 1, 0], [], []>, transpose_lhs_hint = false} : vector<1000x128xf32>, vector<16x128xf32>, vector<1000x16xf32> -> vector<1000x16xf32>
    %get3A_68 = arith.constant 0 : index
    %get3A_69 = arith.constant 0 : index
    %get3A_70 = vector.load %arg14[%get3A_68, %get3A_69] : memref<1x16xf32, #tpu.memory_space<vmem>>, vector<1x16xf32>
    %add3A_71 = vector.broadcast %get3A_70 : vector<1x16xf32> to vector<1000x16xf32>
    %add3A_72 = arith.addf %dot_general3A_67, %add3A_71 : vector<1000x16xf32>
    %swap3A = arith.constant 0 : index
    %swap3A_73 = arith.constant 0 : index
    %swap3A_74 = vector.load %arg15[%swap3A, %swap3A_73] : memref<1000x16xf32, #tpu.memory_space<vmem>>, vector<1000x16xf32>
    tpu.vector_store %arg15[%swap3A, %swap3A_73], %add3A_72 {strides = array<i32>} : memref<1000x16xf32, #tpu.memory_space<vmem>>, vector<1000x16xf32>,
    return
  }
  func.func @transform_0(%arg0: i32) -> (i32, i32) {
    %c0_i32 = arith.constant 0 : i32
    %c0_i32_0 = arith.constant 0 : i32
    return %arg0, %c0_i32 : i32, i32
  }
  func.func @transform_1(%arg0: i32) -> (i32, i32, i32) {
    %c0_i32 = arith.constant 0 : i32
    %c0_i32_0 = arith.constant 0 : i32
    %c0_i32_1 = arith.constant 0 : i32
    return %c0_i32, %arg0, %c0_i32_0 : i32, i32, i32
  }
  func.func @transform_2(%arg0: i32) -> (i32, i32, i32) {
    %c1_i32 = arith.constant 1 : i32
    %c0_i32 = arith.constant 0 : i32
    %c0_i32_0 = arith.constant 0 : i32
    return %c1_i32, %arg0, %c0_i32 : i32, i32, i32
  }
  func.func @transform_3(%arg0: i32) -> (i32, i32) {
    %c0_i32 = arith.constant 0 : i32
    %c0_i32_0 = arith.constant 0 : i32
    return %arg0, %c0_i32 : i32, i32
  }
  func.func @transform_4(%arg0: i32) -> (i32, i32) {
    %c0_i32 = arith.constant 0 : i32
    %c0_i32_0 = arith.constant 0 : i32
    return %arg0, %c0_i32 : i32, i32
  }
  func.func @transform_5(%arg0: i32) -> (i32, i32) {
    %c0_i32 = arith.constant 0 : i32
    %c0_i32_0 = arith.constant 0 : i32
    %c0_i32_1 = arith.constant 0 : i32
    return %c0_i32, %c0_i32_0 : i32, i32
  }
  func.func @transform_6(%arg0: i32) -> (i32, i32) {
    %c0_i32 = arith.constant 0 : i32
    %c0_i32_0 = arith.constant 0 : i32
    %c0_i32_1 = arith.constant 0 : i32
    return %c0_i32, %c0_i32_0 : i32, i32
  }
  func.func @transform_7(%arg0: i32) -> (i32, i32) {
    %c0_i32 = arith.constant 0 : i32
    %c0_i32_0 = arith.constant 0 : i32
    %c0_i32_1 = arith.constant 0 : i32
    return %c0_i32, %c0_i32_0 : i32, i32
  }
  func.func @transform_8(%arg0: i32) -> (i32, i32) {
    %c0_i32 = arith.constant 0 : i32
    %c0_i32_0 = arith.constant 0 : i32
    %c0_i32_1 = arith.constant 0 : i32
    return %c0_i32, %c0_i32_0 : i32, i32
  }
  func.func @transform_9(%arg0: i32) -> (i32, i32) {
    %c0_i32 = arith.constant 0 : i32
    %c0_i32_0 = arith.constant 0 : i32
    %c0_i32_1 = arith.constant 0 : i32
    return %c0_i32, %c0_i32_0 : i32, i32
  }
  func.func @transform_10(%arg0: i32) -> (i32, i32) {
    %c0_i32 = arith.constant 0 : i32
    %c0_i32_0 = arith.constant 0 : i32
    %c0_i32_1 = arith.constant 0 : i32
    return %c0_i32, %c0_i32_0 : i32, i32
  }
  func.func @transform_11(%arg0: i32) -> (i32, i32) {
    %c0_i32 = arith.constant 0 : i32
    %c0_i32_0 = arith.constant 0 : i32
    %c0_i32_1 = arith.constant 0 : i32
    return %c0_i32, %c0_i32_0 : i32, i32
  }
  func.func @transform_12(%arg0: i32) -> (i32, i32) {
    %c0_i32 = arith.constant 0 : i32
    %c0_i32_0 = arith.constant 0 : i32
    %c0_i32_1 = arith.constant 0 : i32
    return %c0_i32, %c0_i32_0 : i32, i32
  }
  func.func @transform_13(%arg0: i32) -> (i32, i32) {
    %c0_i32 = arith.constant 0 : i32
    %c0_i32_0 = arith.constant 0 : i32
    %c0_i32_1 = arith.constant 0 : i32
    return %c0_i32, %c0_i32_0 : i32, i32
  }
  func.func @transform_14(%arg0: i32) -> (i32, i32) {
    %c0_i32 = arith.constant 0 : i32
    %c0_i32_0 = arith.constant 0 : i32
    return %arg0, %c0_i32 : i32, i32
  }
}

</mosaic_0001>

<sc_bundles>
// kernel: kernel.4.cloned.1.call-start
scs
__scs_entry_jumppad:
0x0: {  	(pc) =	sbr.rel $0x88, $3  }
0x1: {  	(tag) =	ssettag $0x0;
	lr =	simm.s32 $0x1  }
0x2: {  	[smem:$0x3F96] =	sst lr;
	_ =	strace $0xD0000000  }
0x3: {  	_ = 	snop  }
0x4: {  	_ = 	snop  }
0x5: {  	_ = 	snop  }
0x6: {  	_ = 	snop  }
0x7: {  	_ = 	snop  }
__scs_overlays_trampoline_lowered:
0x8: {  	[smem:$0x3FA5] =	sst s0  }
0x9: {  	[smem:$0x3FA6] =	sst s1  }
0xa: {  	[smem:$0x3FA7] =	sst s2  }
0xb: {  	[smem:$0x3FA8] =	sst s3  }
0xc: {  	[smem:$0x3FA9] =	sst s4  }
0xd: {  	[smem:$0x3FAA] =	sst s5  }
0xe: {  	[smem:$0x3FAB] =	sst s6  }
0xf: {  	[smem:$0x3FAC] =	sst s7  }
0x10: {  	[smem:$0x3FAD] =	sst s8  }
0x11: {  	[smem:$0x3FAE] =	sst s9;
	s0 =	simm.s32 @!p0 $0x0  }
0x12: {  	s1 =	sld [smem:$0x3F94];
	s0 =	simm.s32 @p0 $0x1  }
0x13: {  	[smem:$0x3FAF] =	sst s0;
	s0 =	simm.s32 @!p1 $0x0  }
0x14: {  	s2 =	sld [smem:$0x3F93];
	s0 =	simm.s32 @p1 $0x1  }
0x15: {  	[smem:$0x3FB0] =	sst s0;
	s0 =	simm.s32 @!p2 $0x0  }
0x16: {  	s3 =	sld [smem:$0x3FDB];
	s0 =	simm.s32 @p2 $0x1  }
0x17: {  	s4 =	simm.s32 $0x1BF5;
	[smem:$0x3FB2] =	sst s0  }
0x18: {  	s0 =	sld [smem:$0x3F95];
	_ =	swait.ge [sflag:s4], $0x0  }
0x19: {  	s7 =	sld [smem:$0x3F96]  }
0x1a: {  	s8 =	sadd.s32 $0xFFFFE003, lr  }
0x1b: {  	s9 =	sadd.s32 $0xFFFFFEF7, lr;
	s5 =	simm.s32 $0xFFFFFFFF;
	p2 =	slt.u32 s8, $0xFFFFF086  }
0x1c: {  	p1 =	slt.u32 s9, $0xF7A;
	s5 =	simm.s32 @!p2 $0x0  }
0x1d: {  	s5 =	simm.s32 @p1 $0x1;
	p0 =	seq.s32 s7, s2  }
0x1e: {  	s7 =	smul.u32 @!p0 $0xF7A, s2;
	p2 =	seq.s32 @!p0 s5, $0x0  }
0x1f: {  	s9 =	smul.u32 $0xF7A, s1;
	s8 =	simm.s32 @!p0 $0x1BF5;
	p2 =	por !p2, p0  }
0x20: {  	[sflag:s8] =	ssyncset.s32 @!p0 $0xFFFFF086;
	s6 =	sadd.s32 @!p0 s3, s7;
	s7 =	simm.s32 @!p0 $0x108  }
0x21: {  	s3 =	sadd.s32 s3, s9;
	s6 =	sadd.s32 @!p0 $0x88, s6;
	s7 =	simm.s32 @p2 $0x1082  }
0x22: {  	[simem:s7], [sflag:s8] =	dma.local @!p0 [hbm:s6], $0xF7A  }
0x23: {  	s9 =	sor.u32 $0xD0000000, s2;
	s6 =	simm.s32 $0x108;
	_ =	swait.ge @!p0 [sflag:s8], $0x0  }
0x24: {  	s3 =	sadd.s32 $0x88, s3;
	s6 =	simm.s32 @!p1 $0x1082;
	[sflag:s4] =	ssyncset.s32 $0xFFFFF086  }
0x25: {  	[simem:s6], [sflag:s4] =	dma.local [hbm:s3], $0xF7A  }
0x26: {  	[smem:$0x3F96] =	sst s1;
	(tag) =	ssettag s2;
	_ =	strace s9  }
0x27: {  	s1 =	sld [smem:$0x3FA6]  }
0x28: {  	s2 =	sld [smem:$0x3FA7]  }
0x29: {  	s4 =	sld [smem:$0x3FA9]  }
0x2a: {  	p0 =	seq.s32 s5, $0x0;
	s5 =	sld [smem:$0x3FAA]  }
0x2b: {  	s6 =	sld [smem:$0x3FAB]  }
0x2c: {  	s7 =	sld [smem:$0x3FAC]  }
0x2d: {  	s3 =	simm.s32 $0x108;
	s8 =	sld [smem:$0x3FAD]  }
0x2e: {  	s3 =	simm.s32 @!p0 $0x1082;
	s9 =	sld [smem:$0x3FAE]  }
0x2f: {  	lr =	sadd.s32 s0, s3;
	s0 =	sld [smem:$0x3FA5]  }
0x30: {  	s3 =	sld [smem:$0x3FA8]  }
0x31: {  	[smem:$0x3FB1] =	sst s10  }
0x32: {  	s10 =	sld [smem:$0x3FAF];
	_ =	sdelay $0x3  }
0x33: {  	p0 =	seq.s32 s10, $0x1;
	s10 =	sld [smem:$0x3FB1];
	_ =	sdelay $0x3  }
0x34: {  	[smem:$0x3FB1] =	sst s10  }
0x35: {  	s10 =	sld [smem:$0x3FB0];
	_ =	sdelay $0x3  }
0x36: {  	p1 =	seq.s32 s10, $0x1;
	s10 =	sld [smem:$0x3FB1];
	_ =	sdelay $0x3  }
0x37: {  	[smem:$0x3FB1] =	sst s10  }
0x38: {  	s10 =	sld [smem:$0x3FB2]  }
0x39: {  	_ = 	snop;
	(pc) =	sbr.ind lr, $3  }
0x3a: {  	_ = 	snop  }
0x3b: {  	_ = 	snop  }
0x3c: {  	p2 =	seq.s32 s10, $0x1;
	s10 =	sld [smem:$0x3FB1]  }
0x3d: {  	_ =	shalt  }
0x3e: {  	_ =	shalt  }
0x3f: {  	_ =	shalt  }
0x40: {  	_ =	shalt  }
0x41: {  	_ =	shalt  }
0x42: {  	_ =	shalt  }
0x43: {  	_ =	shalt  }
0x44: {  	_ =	shalt  }
0x45: {  	_ =	shalt  }
0x46: {  	_ =	shalt  }
0x47: {  	_ =	shalt  }
0x48: {  	_ =	shalt  }
0x49: {  	_ =	shalt  }
0x4a: {  	_ =	shalt  }
0x4b: {  	_ =	shalt  }
0x4c: {  	_ =	shalt  }
0x4d: {  	_ =	shalt  }
0x4e: {  	_ =	shalt  }
0x4f: {  	_ =	shalt  }
0x50: {  	_ =	shalt  }
0x51: {  	_ =	shalt  }
0x52: {  	_ =	shalt  }
0x53: {  	_ =	shalt  }
0x54: {  	_ =	shalt  }
0x55: {  	_ =	shalt  }
0x56: {  	_ =	shalt  }
0x57: {  	_ =	shalt  }
0x58: {  	_ =	shalt  }
0x59: {  	_ =	shalt  }
0x5a: {  	_ =	shalt  }
0x5b: {  	_ =	shalt  }
0x5c: {  	_ =	shalt  }
0x5d: {  	_ =	shalt  }
0x5e: {  	_ =	shalt  }
0x5f: {  	_ =	shalt  }
0x60: {  	_ =	shalt  }
0x61: {  	_ =	shalt  }
0x62: {  	_ =	shalt  }
0x63: {  	_ =	shalt  }
0x64: {  	_ =	shalt  }
0x65: {  	_ =	shalt  }
0x66: {  	_ =	shalt  }
0x67: {  	_ =	shalt  }
0x68: {  	_ =	shalt  }
0x69: {  	_ =	shalt  }
0x6a: {  	_ =	shalt  }
0x6b: {  	_ =	shalt  }
0x6c: {  	_ =	shalt  }
0x6d: {  	_ =	shalt  }
0x6e: {  	_ =	shalt  }
0x6f: {  	_ =	shalt  }
0x70: {  	_ =	shalt  }
0x71: {  	_ =	shalt  }
0x72: {  	_ =	shalt  }
0x73: {  	_ =	shalt  }
0x74: {  	_ =	shalt  }
0x75: {  	_ =	shalt  }
0x76: {  	_ =	shalt  }
0x77: {  	_ =	shalt  }
0x78: {  	_ =	shalt  }
0x79: {  	_ =	shalt  }
0x7a: {  	_ =	shalt  }
0x7b: {  	_ =	shalt  }
0x7c: {  	_ =	shalt  }
0x7d: {  	_ =	shalt  }
0x7e: {  	_ =	shalt  }
0x7f: {  	_ =	shalt  }
0x80: {  	_ =	shalt  }
0x81: {  	_ =	shalt  }
0x82: {  	_ =	shalt  }
0x83: {  	_ =	shalt  }
0x84: {  	_ =	shalt  }
0x85: {  	_ =	shalt  }
0x86: {  	_ =	shalt  }
0x87: {  	_ =	shalt  }
.Lfunc_end0:
.L_simem_size_0:
called_computation_lowered:
.L_overlay_start_0:
0x88: {  	s2 =	sld [smem:$0x3FD9]  }
0x89: {  	s3 =	sld [smem:$0x3FFE];
	_ =	sdelay $0x1  }
0x8a: {  	s1 =	srdreg.scid  }
0x8b: {  	s0 =	sand.u32 $0x1, s1  }
0x8c: {  	s17 =	sshll.u32 s0, $0xA;
	s2 =	sadd.s32 s3, s2  }
0x8d: {  	s2 =	sadd.s32 s2, s17  }
0x8e: {  	[smem:$0x3FBD] =	sst s2  }
0x8f: {  	_ = 	snop  }
0x90: {  	s2 =	sld [smem:$0x3FC9]  }
0x91: {  	s18 =	sld [smem:$0x3FD0];
	(tm) =	ssettm $0x1  }
0x92: {  	s4 =	sld [smem:$0x3FFB];
	_ =	sdelay $0x3  }
0x93: {  	_ =	strace s4  }
0x94: {  	s4 =	sld [smem:$0x3FFC];
	_ =	sdelay $0x3  }
0x95: {  	_ =	strace s4  }
0x96: {  	s4 =	sld [smem:$0x3FFD];
	_ =	sdelay $0x3  }
0x97: {  	_ =	strace s4  }
0x98: {  	_ =	strace $0x8FFFFFFF  }
0x99: {  	s19 =	sld [smem:$0x3FDB];
	_ =	sdelay $0x1  }
0x9a: {  	s5 =	simm.s32 $_scs_section_size  }
0x9b: {  	s6 =	simm.s32 $_size__tile_overlayer_lowered;
	s7 =	simm.s32 $_tile_overlayer_lowered  }
0x9c: {  	s22 =	simm.s32 $0x1BFF;
	s21 =	sshll.u32 s7, $0x1;
	s4 =	sadd.s32 s5, s19  }
0x9d: {  	s8 =	simm.s32 $0x0;
	s20 =	sshll.u32 s6, $0x1;
	s6 =	sadd.s32 s21, s4  }
0x9e: {  	[timem:s8], [sflag:s22] =	dma.local [hbm:s6], s20  }
0x9f: {  	_ =	swait.ge [sflag:s22], s20  }
0xa0: {  	s5 =	ssub.s32 $0x0, s20;
	[sflag:s22] =	ssyncset.done $0x0  }
0xa1: {  	[sflag:s22] =	ssyncadd.s32 s5;
	_ =	sdelay $0x1  }
0xa2: {  	s23 =	simm.s32 $0x1B8B  }
0xa3: {  	_ =	swait.ge [sflag:s23], $0x1  }
0xa4: {  	[sflag:s23] =	ssyncset.done $0x0  }
0xa5: {  	s25 =	simm.s32 $0x1B8E;
	s24 =	sld [smem:$0x3FFE];
	[sflag:s23] =	ssyncadd.s32 $0xFFFFFFFF  }
0xa6: {  	s26 =	simm.s32 $execute0_lowered;
	[smem:$0x3FD2] =	sst s25  }
0xa7: {  	s6 =	sshll.u32 s26, $0x1;
	_ =	strace $0x80000046;
	[dreg:$0x1] =	wrdreg $0xFFFFFFFF  }
0xa8: {  	s28 =	simm.s32 $_size_execute0_lowered;
	s4 =	sadd.s32 s4, s6;
	[dreg:$0x0] =	wrdreg $0x0  }
0xa9: {  	s6 =	sshll.u32 s28, $0x1;
	[dreg:$0x2] =	wrdreg s4  }
0xaa: {  	[dreg:$0x3] =	wrdreg s6  }
0xab: {  	[dreg:$0x4] =	wrdreg $0xC0  }
0xac: {  	_ =	task [dreg:s8], $0x5FFFF  }
0xad: {  	[dreg:$0x1] =	wrdreg $0xFFFFFFFF  }
0xae: {  	[dreg:$0x0] =	wrdreg $0x60  }
0xaf: {  	[dreg:$0x2] =	wrdreg s2  }
0xb0: {  	[dreg:$0x3] =	wrdreg s24  }
0xb1: {  	[dreg:$0x4] =	wrdreg s18  }
0xb2: {  	[dreg:$0x5] =	wrdreg $0x0  }
0xb3: {  	[dreg:$0x6] =	wrdreg $0x13C000  }
0xb4: {  	[dreg:$0x7] =	wrdreg $0x9  }
0xb5: {  	_ =	task.clear_ibuf [dreg:s8], $0x8FFFF;
	_ =	strace $0x90000046  }
0xb6: {  	s29 =	simm.s32 $0x9;
	_ =	strace $0x80000048  }
0xb7: {  	_ =	swait.ge [sflag:s29], $0x1  }
0xb8: {  	[sflag:s29] =	ssyncadd.s32 $0xFFFFFFFF  }
0xb9: {  	_ =	strace $0x90000048  }
0xba: {  	_ =	sfence  }
0xbb: {  	s30 =	sld [smem:$0x0];
	_ =	sdelay $0x2  }
0xbc: {  	s31 =	sshll.u32 s1, $0xD;
	s1 =	sshrl.u32 s1, $0x2  }
0xbd: {  	s3 =	sand.u32 $0x4000, s31;
	s1 =	sadd.s32 s1, s30  }
0xbe: {  	s0 =	sor.u32 s3, s0;
	s1 =	sshll.u32 s1, $0x11  }
0xbf: {  	s0 =	sor.u32 s1, s0  }
0xc0: {  	s0 =	sadd.s32 $0x8F2B, s0  }
0xc1: {  	[sflag:s0] =	ssyncadd.remote.s32 $0x1  }
0xc2: {  	_ =	sfence.sel $0xFFFF  }
0xc3: {  	[dreg:$0x0] =	wrdreg $0xFFFFFFFF;
	(pc) =	sbr.abs _section_cstart, $3  }
0xc4: {  	[dreg:$0x1] =	wrdreg $0xFFFFFFFF  }
0xc5: {  	_ =	task.clear_ibuf [dreg:s8], $0x2FFFF;
	_ =	strace $0x9FFFFFFF  }
0xc6: {  	(tm) =	ssettm $0x7FFFFFFF  }
0xc7: {  	_ =	shalt  }
tec
execute0_lowered:
.L_overlay_start_1:
0x0: {  	(tag) =	ssettag $0x1  }
0x1: {  	s1 =	rddreg [dreg:$0x0]  }
0x2: {  	s0 =	rddreg [dreg:$0x1]  }
0x3: {  	s4 =	rddreg [dreg:$0x3]  }
0x4: {  	s5 =	rddreg [dreg:$0x4];
	s2 =	srdreg.scid  }
0x5: {  	s13 =	stileid.u32;
	s6 =	simm.s32 $0x0;
	s28 =	simm.s32 $0xA  }
0x6: {  	s30 =	simm.s32 $0x1;
	s14 =	simm.s32 $0x153D0;
	s2 =	sand.u32 $0x1, s2  }
0x7: {  	s3 =	smul.u32 $0x13C00, s13;
	[smem:$0x7FF] =	sst s6;
	s9 =	sadd.s32 $0x2400, s0  }
0x8: {  	s10 =	sadd.s32 $0x16000, s0;
	s11 =	sadd.s32 $0x15E00, s0;
	s17 =	smul.u32 $0x13C0, s13  }
0x9: {  	s25 =	smul.u32 $0x9C4, s13;
	_ =	strace $0x80000047;
	[dreg:$0x7] =	wrdreg s10  }
0xa: {  	s7 =	smul.u32 $0x13C000, s2;
	s8 =	sshll.u32 s2, $0x4;
	[dreg:$0x8] =	wrdreg s11  }
0xb: {  	s16 =	ssub.s32 $0x2, s2;
	s24 =	smul.u32 $0x9C40, s2;
	p0 =	seq.s32 s2, $0x1  }
0xc: {  	s2 =	simm.s32 $0x18C00;
	s8 =	sor.u32 s13, s8;
	s12 =	sshrl.u32 s16, $0x1  }
0xd: {  	s20 =	sadd.s32 s17, s5;
	s26 =	sshrl.u32 s17, $0x3;
	s2 =	simm.s32 @!p0 $0x16400  }
0xe: {  	s13 =	simm.s32 $0x3;
	s17 =	simm.s32 $0x15470;
	s15 =	smul.u32 $0x4E20, s8  }
0xf: {  	s7 =	sadd.s32 s3, s7;
	s8 =	smul.u32 $0x9C4, s8;
	s11 =	ssub.s32 s16, s12  }
0x10: {  	s3 =	sadd.s32 s3, s4;
	[dreg:$0xd] =	wrdreg s20;
	s12 =	simm.s32 $0x6  }
0x11: {  	s16 =	simm.s32 $0x4;
	s7 =	sshrl.u32 s7, $0x3;
	[dreg:$0xc] =	wrdreg s3  }
0x12: {  	s3 =	sadd.s32 s24, s9;
	s29 =	smax.u32 s11, $0x1;
	s24 =	simm.s32 $0x9  }
0x13: {  	s7 =	sadd.s32 s7, s0;
	s10 =	sshrl.u32 s15, $0x3;
	s8 =	sadd.s32 s9, s8  }
0x14: {  	[dreg:$0x11] =	wrdreg s29;
	s0 =	sadd.s32 s2, s0;
	s31 =	sadd.s32 s25, s3  }
0x15: {  	s25 =	simm.s32 $0x50;
	s2 =	simm.s32 $0xB;
	[dreg:$0x9] =	wrdreg s8  }
0x16: {  	s15 =	simm.s32 $0x7;
	s23 =	sadd.s32 $0x1B400, s7;
	[dreg:$0x6] =	wrdreg s31  }
0x17: {  	s10 =	sadd.s32 s9, s10;
	s0 =	sadd.s32 s0, s26;
	[dreg:$0x10] =	wrdreg s23  }
0x18: {  	s26 =	simm.s32 $0x15380;
	s18 =	sadd.s32 $0x14, s10;
	[dreg:$0x12] =	wrdreg s0  }
0x19: {  	s7 =	simm.s32 $0x5;
	s19 =	sadd.s32 $0x28, s10;
	[dreg:$0xa] =	wrdreg s18  }
0x1a: {  	s8 =	simm.s32 $0xC;
	s21 =	sadd.s32 $0x3C, s10;
	[dreg:$0xb] =	wrdreg s19  }
0x1b: {  	s22 =	sadd.s32 $0x9B0, s10;
	s23 =	simm.s32 $0x152E0;
	[dreg:$0xe] =	wrdreg s21  }
0x1c: {  	s10 =	simm.s32 $0x2;
	s0 =	simm.s32 $0x0;
	[dreg:$0xf] =	wrdreg s22  }
0x1d: {  	s19 =	simm.s32 $0x14FC0;
	s21 =	simm.s32 $0xD;
	s18 =	simm.s32 $0x8  }
.LBB2_1:
0x1e: {  	[dreg:$0x13] =	wrdreg s0  }
0x1f: {  	s20 =	rddreg [dreg:$0x8]  }
0x20: {  	[tilespmem:s19], [sflag:$0xD] =	stream.linear.gather [hbm4b:s20+s6], $0x280, $0x38;
	[tilespmem:$0x1F4C0] =	vst v63  }
0x21: {  	_ =	swait.ge [sflag:s21], $0x280  }
0x22: {  	s11 =	rddreg [dreg:$0x9]  }
0x23: {  	s29 =	rddreg [dreg:$0xa]  }
0x24: {  	s22 =	simm.s32 $0x15240;
	[sflag:s21] =	ssyncset.done $0x0;
	s31 =	rddreg [dreg:$0xb]  }
0x25: {  	s0 =	stileid.u32;
	s3 =	rddreg [dreg:$0xc];
	[sflag:s21] =	ssyncadd.s32 $0xFFFFFD80  }
0x26: {  	[tilespmem:s22], [sflag:$0x9] =	stream.linear.gather [hbm4b:s11+s6], $0xA0, $0x38;
	[tilespmem:$0x1F4C0] =	vst v63  }
0x27: {  	s20 =	sshll.u32 s0, $0x6;
	s3 =	sshrl.u32 s3, $0x3;
	s9 =	rddreg [dreg:$0x2]  }
0x28: {  	[tilespmem:s23], [sflag:$0xA] =	stream.linear.gather [hbm4b:s29+s6], $0xA0, $0x38;
	[tilespmem:$0x1F4C0] =	vst v63  }
0x29: {  	s0 =	sor.u32 $0x1C0D, s20;
	[dreg:$0x15] =	wrdreg s3  }
0x2a: {  	[tilespmem:s26], [sflag:$0xB] =	stream.linear.gather [hbm4b:s31+s6], $0xA0, $0x38;
	[tilespmem:$0x1F4C0] =	vst v63  }
0x2b: {  	[spmem:s3], [sflag:s0] =	dma.local [hbm:s9], $0x2780  }
0x2c: {  	_ =	swait.ge [sflag:s21], $0x2780;
	[dreg:$0x14] =	wrdreg s0  }
0x2d: {  	s11 =	rddreg [dreg:$0xd]  }
0x2e: {  	[sflag:s21] =	ssyncset.done $0x0;
	s31 =	rddreg [dreg:$0x7];
	s29 =	sshrl.u32 s11, $0x3  }
0x2f: {  	[sflag:s21] =	ssyncadd.s32 $0xFFFFD880;
	[dreg:$0x16] =	wrdreg s29  }
0x30: {  	[spmem:s29], [sflag:s0] =	dma.local [hbm:s31], $0x278  }
0x31: {  	_ =	swait.ge [sflag:s21], $0x278  }
0x32: {  	[sflag:s21] =	ssyncset.done $0x0  }
0x33: {  	[sflag:s21] =	ssyncadd.s32 $0xFFFFFD88  }
0x34: {  	_ =	swait.ge [sflag:s24], $0xA0  }
0x35: {  	[sflag:s24] =	ssyncset.done $0x0  }
0x36: {  	s9 =	simm.s32 $0x154C0;
	[sflag:s24] =	ssyncadd.s32 $0xFFFFFF60  }
0x37: {  	[tilespmem:s9], [sflag:$0x1] =	stream.indirect.gather [hbm4b:s1+s25], $0x80, s22, s25, $0xb8;
	[tilespmem:$0x1F4C0] =	vst v63  }
0x38: {  	_ =	swait.ge [sflag:s28], $0xA0  }
0x39: {  	[sflag:s28] =	ssyncset.done $0x0  }
0x3a: {  	s29 =	simm.s32 $0x17CC0;
	[sflag:s28] =	ssyncadd.s32 $0xFFFFFF60  }
0x3b: {  	[tilespmem:s29], [sflag:$0x2] =	stream.indirect.gather [hbm4b:s1+s25], $0x80, s23, s25, $0xb8;
	[tilespmem:$0x1F4C0] =	vst v63  }
0x3c: {  	[bflag:$0x0] =	sbarrier.arrive $0xFFFF  }
0x3d: {  	_ =	swait.ge [sflag:s30], $0x2800  }
0x3e: {  	[sflag:s30] =	ssyncset.done $0x0  }
0x3f: {  	s0 =	simm.s32 $0x15290;
	[sflag:s30] =	ssyncadd.s32 $0xFFFFD800  }
0x40: {  	[spmem:s4] =	stream.indirect.scatter.add.f32 [tilespmem:s9], [sflag:$0x5], $0x80, s0, s25, $0xb8;
	[tilespmem:$0x1F4C0] =	vst v63  }
0x41: {  	_ = 	snop  }
0x42: {  	[spmem:s5] =	stream.indirect.scatter.add.f32 [tilespmem:s19], [sflag:$0x5], $0x8, s0, s25, $0xb8;
	[tilespmem:$0x1F4C0] =	vst v63  }
0x43: {  	s3 =	simm.s32 $0x15420;
	s11 =	rddreg [dreg:$0xe]  }
0x44: {  	[tilespmem:s3], [sflag:$0xC] =	stream.linear.gather [hbm4b:s11+s6], $0xA0, $0x38;
	[tilespmem:$0x1F4C0] =	vst v63  }
0x45: {  	_ =	swait.ge [sflag:s2], $0xA0  }
0x46: {  	[sflag:s2] =	ssyncset.done $0x0  }
0x47: {  	s31 =	simm.s32 $0x1A4C0;
	[sflag:s2] =	ssyncadd.s32 $0xFFFFFF60  }
0x48: {  	[tilespmem:s31], [sflag:$0x3] =	stream.indirect.gather [hbm4b:s1+s25], $0x80, s26, s25, $0xb8;
	[tilespmem:$0x1F4C0] =	vst v63  }
0x49: {  	_ =	swait.ge [sflag:s7], $0x2800  }
0x4a: {  	[sflag:s7] =	ssyncset.done $0x0  }
0x4b: {  	[sflag:s7] =	ssyncadd.s32 $0xFFFFD800  }
0x4c: {  	_ =	swait.ge [sflag:s7], $0x280  }
0x4d: {  	s21 =	rddreg [dreg:$0x6]  }
0x4e: {  	[sflag:s7] =	ssyncset.done $0x0;
	s20 =	sadd.s32 $0x0, s21  }
0x4f: {  	[sflag:s7] =	ssyncadd.s32 $0xFFFFFD80;
	s9 =	sadd.s32 $0x50, s20  }
0x50: {  	[tilespmem:s22], [sflag:$0x9] =	stream.linear.gather [hbm4b:s9+s6], $0xA0, $0x38;
	[tilespmem:$0x1F4C0] =	vst v63  }
0x51: {  	_ =	swait.ge [sflag:s8], $0xA0  }
0x52: {  	[sflag:s8] =	ssyncset.done $0x0  }
0x53: {  	s9 =	simm.s32 $0x1CCC0;
	[sflag:s8] =	ssyncadd.s32 $0xFFFFFF60  }
0x54: {  	[tilespmem:s9], [sflag:$0x4] =	stream.indirect.gather [hbm4b:s1+s25], $0x80, s3, s25, $0xb8;
	[tilespmem:$0x1F4C0] =	vst v63  }
0x55: {  	_ =	swait.ge [sflag:s10], $0x2800  }
0x56: {  	[sflag:s10] =	ssyncset.done $0x0  }
0x57: {  	s11 =	simm.s32 $0x15330;
	[sflag:s10] =	ssyncadd.s32 $0xFFFFD800  }
0x58: {  	[spmem:s4] =	stream.indirect.scatter.add.f32 [tilespmem:s29], [sflag:$0x6], $0x80, s11, s25, $0xb8;
	[tilespmem:$0x1F4C0] =	vst v63  }
0x59: {  	_ = 	snop  }
0x5a: {  	[spmem:s5] =	stream.indirect.scatter.add.f32 [tilespmem:s19], [sflag:$0x6], $0x8, s11, s25, $0xb8;
	[tilespmem:$0x1F4C0] =	vst v63  }
0x5b: {  	_ =	swait.ge [sflag:s12], $0x2800  }
0x5c: {  	[sflag:s12] =	ssyncset.done $0x0  }
0x5d: {  	[sflag:s12] =	ssyncadd.s32 $0xFFFFD800  }
0x5e: {  	_ =	swait.ge [sflag:s12], $0x280  }
0x5f: {  	[sflag:s12] =	ssyncset.done $0x0  }
0x60: {  	s11 =	sadd.s32 $0x64, s20;
	[sflag:s12] =	ssyncadd.s32 $0xFFFFFD80  }
0x61: {  	[tilespmem:s23], [sflag:$0xA] =	stream.linear.gather [hbm4b:s11+s6], $0xA0, $0x38;
	[tilespmem:$0x1F4C0] =	vst v63  }
0x62: {  	_ =	swait.ge [sflag:s24], $0xA0  }
0x63: {  	[sflag:s24] =	ssyncset.done $0x0  }
0x64: {  	s11 =	simm.s32 $0x154C0;
	[sflag:s24] =	ssyncadd.s32 $0xFFFFFF60  }
0x65: {  	[tilespmem:s11], [sflag:$0x1] =	stream.indirect.gather [hbm4b:s1+s25], $0x80, s22, s25, $0xb8;
	[tilespmem:$0x1F4C0] =	vst v63  }
0x66: {  	_ =	swait.ge [sflag:s13], $0x2800  }
0x67: {  	[sflag:s13] =	ssyncset.done $0x0  }
0x68: {  	[sflag:s13] =	ssyncadd.s32 $0xFFFFD800  }
0x69: {  	[spmem:s4] =	stream.indirect.scatter.add.f32 [tilespmem:s31], [sflag:$0x7], $0x80, s14, s25, $0xb8;
	[tilespmem:$0x1F4C0] =	vst v63  }
0x6a: {  	_ = 	snop  }
0x6b: {  	[spmem:s5] =	stream.indirect.scatter.add.f32 [tilespmem:s19], [sflag:$0x7], $0x8, s14, s25, $0xb8;
	[tilespmem:$0x1F4C0] =	vst v63  }
0x6c: {  	_ =	swait.ge [sflag:s15], $0x2800  }
0x6d: {  	[sflag:s15] =	ssyncset.done $0x0  }
0x6e: {  	[sflag:s15] =	ssyncadd.s32 $0xFFFFD800  }
0x6f: {  	_ =	swait.ge [sflag:s15], $0x280  }
0x70: {  	[sflag:s15] =	ssyncset.done $0x0  }
0x71: {  	s22 =	sadd.s32 $0x78, s20;
	[sflag:s15] =	ssyncadd.s32 $0xFFFFFD80  }
0x72: {  	[tilespmem:s26], [sflag:$0xB] =	stream.linear.gather [hbm4b:s22+s6], $0xA0, $0x38;
	[tilespmem:$0x1F4C0] =	vst v63  }
0x73: {  	_ =	swait.ge [sflag:s28], $0xA0  }
0x74: {  	[sflag:s28] =	ssyncset.done $0x0  }
0x75: {  	[sflag:s28] =	ssyncadd.s32 $0xFFFFFF60  }
0x76: {  	[tilespmem:s29], [sflag:$0x2] =	stream.indirect.gather [hbm4b:s1+s25], $0x80, s23, s25, $0xb8;
	[tilespmem:$0x1F4C0] =	vst v63  }
0x77: {  	_ =	swait.ge [sflag:s16], $0x2800  }
0x78: {  	[sflag:s16] =	ssyncset.done $0x0  }
0x79: {  	[sflag:s16] =	ssyncadd.s32 $0xFFFFD800  }
0x7a: {  	[spmem:s4] =	stream.indirect.scatter.add.f32 [tilespmem:s9], [sflag:$0x8], $0x80, s17, s25, $0xb8;
	[tilespmem:$0x1F4C0] =	vst v63  }
0x7b: {  	_ = 	snop  }
0x7c: {  	[spmem:s5] =	stream.indirect.scatter.add.f32 [tilespmem:s19], [sflag:$0x8], $0x8, s17, s25, $0xb8;
	[tilespmem:$0x1F4C0] =	vst v63  }
0x7d: {  	_ =	swait.ge [sflag:s18], $0x2800  }
0x7e: {  	[sflag:s18] =	ssyncset.done $0x0  }
0x7f: {  	[sflag:s18] =	ssyncadd.s32 $0xFFFFD800  }
0x80: {  	_ =	swait.ge [sflag:s18], $0x280  }
0x81: {  	[sflag:s18] =	ssyncset.done $0x0  }
0x82: {  	s20 =	sadd.s32 $0x8C, s20;
	[sflag:s18] =	ssyncadd.s32 $0xFFFFFD80  }
0x83: {  	[tilespmem:s3], [sflag:$0xC] =	stream.linear.gather [hbm4b:s20+s6], $0xA0, $0x38;
	[tilespmem:$0x1F4C0] =	vst v63  }
0x84: {  	_ =	swait.ge [sflag:s2], $0xA0  }
0x85: {  	[sflag:s2] =	ssyncset.done $0x0  }
0x86: {  	[sflag:s2] =	ssyncadd.s32 $0xFFFFFF60  }
0x87: {  	[tilespmem:s31], [sflag:$0x3] =	stream.indirect.gather [hbm4b:s1+s25], $0x80, s26, s25, $0xb8;
	[tilespmem:$0x1F4C0] =	vst v63  }
0x88: {  	_ =	swait.ge [sflag:s30], $0x2800  }
0x89: {  	[sflag:s30] =	ssyncset.done $0x0  }
0x8a: {  	s20 =	simm.s32 $0x50;
	[sflag:s30] =	ssyncadd.s32 $0xFFFFD800  }
0x8b: {  	[spmem:s4] =	stream.indirect.scatter.add.f32 [tilespmem:s11], [sflag:$0x5], $0x80, s0, s25, $0xb8;
	[tilespmem:$0x1F4C0] =	vst v63  }
.LBB2_2:
0x8c: {  	s0 =	simm.s32 $0x15290  }
0x8d: {  	[spmem:s5] =	stream.indirect.scatter.add.f32 [tilespmem:s19], [sflag:$0x5], $0x8, s0, s25, $0xb8;
	[tilespmem:$0x1F4C0] =	vst v63  }
0x8e: {  	_ =	swait.ge [sflag:s7], $0x2800  }
0x8f: {  	[sflag:s7] =	ssyncset.done $0x0  }
0x90: {  	[sflag:s7] =	ssyncadd.s32 $0xFFFFD800  }
0x91: {  	_ =	swait.ge [sflag:s7], $0x280  }
0x92: {  	s21 =	smov.u32 s20;
	s22 =	rddreg [dreg:$0x6]  }
0x93: {  	[sflag:s7] =	ssyncset.done $0x0;
	s21 =	sadd.s32 s21, s22  }
0x94: {  	s23 =	simm.s32 $0x15240;
	[sflag:s7] =	ssyncadd.s32 $0xFFFFFD80;
	s22 =	sadd.s32 $0x50, s21  }
0x95: {  	[tilespmem:s23], [sflag:$0x9] =	stream.linear.gather [hbm4b:s22+s6], $0xA0, $0x38;
	[tilespmem:$0x1F4C0] =	vst v63  }
0x96: {  	_ =	swait.ge [sflag:s8], $0xA0  }
0x97: {  	[sflag:s8] =	ssyncset.done $0x0  }
0x98: {  	s3 =	simm.s32 $0x15420;
	s11 =	simm.s32 $0x1CCC0;
	[sflag:s8] =	ssyncadd.s32 $0xFFFFFF60  }
0x99: {  	[tilespmem:s11], [sflag:$0x4] =	stream.indirect.gather [hbm4b:s1+s25], $0x80, s3, s25, $0xb8;
	[tilespmem:$0x1F4C0] =	vst v63  }
0x9a: {  	_ =	swait.ge [sflag:s10], $0x2800  }
0x9b: {  	[sflag:s10] =	ssyncset.done $0x0  }
0x9c: {  	s31 =	simm.s32 $0x17CC0;
	s9 =	simm.s32 $0x15330;
	[sflag:s10] =	ssyncadd.s32 $0xFFFFD800  }
0x9d: {  	[spmem:s4] =	stream.indirect.scatter.add.f32 [tilespmem:s31], [sflag:$0x6], $0x80, s9, s25, $0xb8;
	[tilespmem:$0x1F4C0] =	vst v63  }
0x9e: {  	_ = 	snop  }
0x9f: {  	[spmem:s5] =	stream.indirect.scatter.add.f32 [tilespmem:s19], [sflag:$0x6], $0x8, s9, s25, $0xb8;
	[tilespmem:$0x1F4C0] =	vst v63  }
0xa0: {  	_ =	swait.ge [sflag:s12], $0x2800  }
0xa1: {  	[sflag:s12] =	ssyncset.done $0x0  }
0xa2: {  	[sflag:s12] =	ssyncadd.s32 $0xFFFFD800  }
0xa3: {  	_ =	swait.ge [sflag:s12], $0x280  }
0xa4: {  	[sflag:s12] =	ssyncset.done $0x0  }
0xa5: {  	s26 =	simm.s32 $0x152E0;
	s29 =	sadd.s32 $0x64, s21;
	[sflag:s12] =	ssyncadd.s32 $0xFFFFFD80  }
0xa6: {  	[tilespmem:s26], [sflag:$0xA] =	stream.linear.gather [hbm4b:s29+s6], $0xA0, $0x38;
	[tilespmem:$0x1F4C0] =	vst v63  }
0xa7: {  	_ =	swait.ge [sflag:s24], $0xA0  }
0xa8: {  	[sflag:s24] =	ssyncset.done $0x0  }
0xa9: {  	s29 =	simm.s32 $0x154C0;
	[sflag:s24] =	ssyncadd.s32 $0xFFFFFF60  }
0xaa: {  	[tilespmem:s29], [sflag:$0x1] =	stream.indirect.gather [hbm4b:s1+s25], $0x80, s23, s25, $0xb8;
	[tilespmem:$0x1F4C0] =	vst v63  }
0xab: {  	_ =	swait.ge [sflag:s13], $0x2800  }
0xac: {  	[sflag:s13] =	ssyncset.done $0x0  }
0xad: {  	s9 =	simm.s32 $0x1A4C0;
	[sflag:s13] =	ssyncadd.s32 $0xFFFFD800  }
0xae: {  	[spmem:s4] =	stream.indirect.scatter.add.f32 [tilespmem:s9], [sflag:$0x7], $0x80, s14, s25, $0xb8;
	[tilespmem:$0x1F4C0] =	vst v63  }
0xaf: {  	_ = 	snop  }
0xb0: {  	[spmem:s5] =	stream.indirect.scatter.add.f32 [tilespmem:s19], [sflag:$0x7], $0x8, s14, s25, $0xb8;
	[tilespmem:$0x1F4C0] =	vst v63  }
0xb1: {  	_ =	swait.ge [sflag:s15], $0x2800  }
0xb2: {  	[sflag:s15] =	ssyncset.done $0x0  }
0xb3: {  	[sflag:s15] =	ssyncadd.s32 $0xFFFFD800  }
0xb4: {  	_ =	swait.ge [sflag:s15], $0x280  }
0xb5: {  	[sflag:s15] =	ssyncset.done $0x0  }
0xb6: {  	s22 =	sadd.s32 $0x78, s21;
	s26 =	simm.s32 $0x15380;
	[sflag:s15] =	ssyncadd.s32 $0xFFFFFD80  }
0xb7: {  	[tilespmem:s26], [sflag:$0xB] =	stream.linear.gather [hbm4b:s22+s6], $0xA0, $0x38;
	[tilespmem:$0x1F4C0] =	vst v63  }
0xb8: {  	_ =	swait.ge [sflag:s28], $0xA0  }
0xb9: {  	[sflag:s28] =	ssyncset.done $0x0  }
0xba: {  	s23 =	simm.s32 $0x152E0;
	[sflag:s28] =	ssyncadd.s32 $0xFFFFFF60  }
0xbb: {  	[tilespmem:s31], [sflag:$0x2] =	stream.indirect.gather [hbm4b:s1+s25], $0x80, s23, s25, $0xb8;
	[tilespmem:$0x1F4C0] =	vst v63  }
0xbc: {  	_ =	swait.ge [sflag:s16], $0x2800  }
0xbd: {  	[sflag:s16] =	ssyncset.done $0x0  }
0xbe: {  	[sflag:s16] =	ssyncadd.s32 $0xFFFFD800  }
0xbf: {  	[spmem:s4] =	stream.indirect.scatter.add.f32 [tilespmem:s11], [sflag:$0x8], $0x80, s17, s25, $0xb8;
	[tilespmem:$0x1F4C0] =	vst v63  }
0xc0: {  	_ = 	snop  }
0xc1: {  	[spmem:s5] =	stream.indirect.scatter.add.f32 [tilespmem:s19], [sflag:$0x8], $0x8, s17, s25, $0xb8;
	[tilespmem:$0x1F4C0] =	vst v63  }
0xc2: {  	_ =	swait.ge [sflag:s18], $0x2800  }
0xc3: {  	[sflag:s18] =	ssyncset.done $0x0  }
0xc4: {  	[sflag:s18] =	ssyncadd.s32 $0xFFFFD800  }
0xc5: {  	_ =	swait.ge [sflag:s18], $0x280  }
0xc6: {  	[sflag:s18] =	ssyncset.done $0x0  }
0xc7: {  	s21 =	sadd.s32 $0x8C, s21;
	[sflag:s18] =	ssyncadd.s32 $0xFFFFFD80  }
0xc8: {  	[tilespmem:s3], [sflag:$0xC] =	stream.linear.gather [hbm4b:s21+s6], $0xA0, $0x38;
	[tilespmem:$0x1F4C0] =	vst v63  }
0xc9: {  	_ =	swait.ge [sflag:s2], $0xA0  }
0xca: {  	[sflag:s2] =	ssyncset.done $0x0  }
0xcb: {  	p0 =	sne.s32 s20, $0x910;
	[sflag:s2] =	ssyncadd.s32 $0xFFFFFF60  }
0xcc: {  	[tilespmem:s9], [sflag:$0x3] =	stream.indirect.gather [hbm4b:s1+s25], $0x80, s26, s25, $0xb8;
	[tilespmem:$0x1F4C0] =	vst v63  }
.Ltmp0:
0xcd: {  	_ = 	snop;
	(pc) =	sbr.rel @p0 .LBB2_2-.Ltmp0, $4  }
0xce: {  	_ =	swait.ge [sflag:s30], $0x2800  }
0xcf: {  	s20 =	sadd.s32 $0x50, s20;
	s22 =	simm.s32 $0x17CC0;
	[sflag:s30] =	ssyncset.done $0x0  }
0xd0: {  	s31 =	simm.s32 $0x15420;
	s3 =	simm.s32 $0x1A4C0;
	[sflag:s30] =	ssyncadd.s32 $0xFFFFD800  }
0xd1: {  	[spmem:s4] =	stream.indirect.scatter.add.f32 [tilespmem:s29], [sflag:$0x5], $0x80, s0, s25, $0xb8;
	[tilespmem:$0x1F4C0] =	vst v63  }
0xd2: {  	s0 =	simm.s32 $0x15290  }
0xd3: {  	[spmem:s5] =	stream.indirect.scatter.add.f32 [tilespmem:s19], [sflag:$0x5], $0x8, s0, s25, $0xb8;
	[tilespmem:$0x1F4C0] =	vst v63  }
0xd4: {  	_ =	swait.ge [sflag:s7], $0x2800  }
0xd5: {  	[sflag:s7] =	ssyncset.done $0x0  }
0xd6: {  	[sflag:s7] =	ssyncadd.s32 $0xFFFFD800  }
0xd7: {  	_ =	swait.ge [sflag:s7], $0x280  }
0xd8: {  	[sflag:s7] =	ssyncset.done $0x0  }
0xd9: {  	s21 =	simm.s32 $0x15240;
	s20 =	rddreg [dreg:$0xf];
	[sflag:s7] =	ssyncadd.s32 $0xFFFFFD80  }
0xda: {  	[tilespmem:s21], [sflag:$0x9] =	stream.linear.gather [hbm4b:s20+s6], $0xA0, $0x38;
	[tilespmem:$0x1F4C0] =	vst v63  }
0xdb: {  	_ =	swait.ge [sflag:s8], $0xA0  }
0xdc: {  	[sflag:s8] =	ssyncset.done $0x0  }
0xdd: {  	s9 =	simm.s32 $0x1CCC0;
	[sflag:s8] =	ssyncadd.s32 $0xFFFFFF60  }
0xde: {  	[tilespmem:s9], [sflag:$0x4] =	stream.indirect.gather [hbm4b:s1+s25], $0x80, s31, s25, $0xb8;
	[tilespmem:$0x1F4C0] =	vst v63  }
0xdf: {  	_ =	swait.ge [sflag:s10], $0x2800  }
0xe0: {  	[sflag:s10] =	ssyncset.done $0x0  }
0xe1: {  	s11 =	simm.s32 $0x15330;
	[sflag:s10] =	ssyncadd.s32 $0xFFFFD800  }
0xe2: {  	[spmem:s4] =	stream.indirect.scatter.add.f32 [tilespmem:s22], [sflag:$0x6], $0x80, s11, s25, $0xb8;
	[tilespmem:$0x1F4C0] =	vst v63  }
0xe3: {  	_ = 	snop  }
0xe4: {  	[spmem:s5] =	stream.indirect.scatter.add.f32 [tilespmem:s19], [sflag:$0x6], $0x8, s11, s25, $0xb8;
	[tilespmem:$0x1F4C0] =	vst v63  }
0xe5: {  	_ =	swait.ge [sflag:s12], $0x2800  }
0xe6: {  	[sflag:s12] =	ssyncset.done $0x0  }
0xe7: {  	[sflag:s12] =	ssyncadd.s32 $0xFFFFD800  }
0xe8: {  	_ =	swait.ge [sflag:s12], $0x280  }
0xe9: {  	[sflag:s12] =	ssyncset.done $0x0  }
0xea: {  	[sflag:s12] =	ssyncadd.s32 $0xFFFFFD80  }
0xeb: {  	_ =	swait.ge [sflag:s24], $0xA0  }
0xec: {  	[sflag:s24] =	ssyncset.done $0x0  }
0xed: {  	s22 =	simm.s32 $0x154C0;
	[sflag:s24] =	ssyncadd.s32 $0xFFFFFF60  }
0xee: {  	[tilespmem:s22], [sflag:$0x1] =	stream.indirect.gather [hbm4b:s1+s25], $0x80, s21, s25, $0xb8;
	[tilespmem:$0x1F4C0] =	vst v63  }
0xef: {  	_ =	swait.ge [sflag:s13], $0x2800  }
0xf0: {  	[sflag:s13] =	ssyncset.done $0x0  }
0xf1: {  	[sflag:s13] =	ssyncadd.s32 $0xFFFFD800  }
0xf2: {  	[spmem:s4] =	stream.indirect.scatter.add.f32 [tilespmem:s3], [sflag:$0x7], $0x80, s14, s25, $0xb8;
	[tilespmem:$0x1F4C0] =	vst v63  }
0xf3: {  	_ = 	snop  }
0xf4: {  	[spmem:s5] =	stream.indirect.scatter.add.f32 [tilespmem:s19], [sflag:$0x7], $0x8, s14, s25, $0xb8;
	[tilespmem:$0x1F4C0] =	vst v63  }
0xf5: {  	_ =	swait.ge [sflag:s16], $0x2800  }
0xf6: {  	[sflag:s16] =	ssyncset.done $0x0  }
0xf7: {  	[sflag:s16] =	ssyncadd.s32 $0xFFFFD800  }
0xf8: {  	[spmem:s4] =	stream.indirect.scatter.add.f32 [tilespmem:s9], [sflag:$0x8], $0x80, s17, s25, $0xb8;
	[tilespmem:$0x1F4C0] =	vst v63  }
0xf9: {  	_ = 	snop  }
0xfa: {  	[spmem:s5] =	stream.indirect.scatter.add.f32 [tilespmem:s19], [sflag:$0x8], $0x8, s17, s25, $0xb8;
	[tilespmem:$0x1F4C0] =	vst v63  }
0xfb: {  	_ =	swait.ge [sflag:s30], $0x2800  }
0xfc: {  	[sflag:s30] =	ssyncset.done $0x0  }
0xfd: {  	[sflag:s30] =	ssyncadd.s32 $0xFFFFD800  }
0xfe: {  	[spmem:s4] =	stream.indirect.scatter.add.f32 [tilespmem:s22], [sflag:$0x5], $0x80, s0, s25, $0xb8;
	[tilespmem:$0x1F4C0] =	vst v63  }
0xff: {  	_ = 	snop  }
0x100: {  	[spmem:s5] =	stream.indirect.scatter.add.f32 [tilespmem:s19], [sflag:$0x5], $0x8, s0, s25, $0xb8;
	[tilespmem:$0x1F4C0] =	vst v63  }
0x101: {  	_ =	swait.ge [sflag:s15], $0x2800  }
0x102: {  	[sflag:s15] =	ssyncset.done $0x0  }
0x103: {  	[sflag:s15] =	ssyncadd.s32 $0xFFFFD800  }
0x104: {  	_ =	swait.ge [sflag:s15], $0x280  }
0x105: {  	[sflag:s15] =	ssyncset.done $0x0  }
0x106: {  	[sflag:s15] =	ssyncadd.s32 $0xFFFFFD80  }
0x107: {  	_ =	swait.ge [sflag:s18], $0x2800  }
0x108: {  	[sflag:s18] =	ssyncset.done $0x0  }
0x109: {  	[sflag:s18] =	ssyncadd.s32 $0xFFFFD800  }
0x10a: {  	_ =	swait.ge [sflag:s18], $0x280  }
0x10b: {  	[sflag:s18] =	ssyncset.done $0x0  }
0x10c: {  	[sflag:s18] =	ssyncadd.s32 $0xFFFFFD80  }
0x10d: {  	_ =	swait.ge [sflag:s7], $0x2800  }
0x10e: {  	[sflag:s7] =	ssyncset.done $0x0  }
0x10f: {  	[sflag:s7] =	ssyncadd.s32 $0xFFFFD800  }
0x110: {  	_ =	swait.ge [sflag:s7], $0x280  }
0x111: {  	[sflag:s7] =	ssyncset.done $0x0  }
0x112: {  	[sflag:s7] =	ssyncadd.s32 $0xFFFFFD80  }
0x113: {  	[bflag:$0x0] =	sbarrier.arrive $0xFFFF  }
0x114: {  	s29 =	rddreg [dreg:$0x10]  }
0x115: {  	s31 =	rddreg [dreg:$0x14]  }
0x116: {  	s21 =	simm.s32 $0xD;
	s9 =	rddreg [dreg:$0x15]  }
0x117: {  	[hbm:s29], [sflag:s31] =	dma.local [spmem:s9], $0x2780  }
0x118: {  	_ =	swait.ge [sflag:s21], $0x2780  }
0x119: {  	[sflag:s21] =	ssyncset.done $0x0;
	s11 =	rddreg [dreg:$0x12]  }
0x11a: {  	s22 =	rddreg [dreg:$0x16];
	[sflag:s21] =	ssyncadd.s32 $0xFFFFD880  }
0x11b: {  	[hbm:s11], [sflag:s31] =	dma.local [spmem:s22], $0x278  }
0x11c: {  	_ =	swait.ge [sflag:s21], $0x278  }
0x11d: {  	s29 =	rddreg [dreg:$0x13]  }
0x11e: {  	s31 =	rddreg [dreg:$0x11];
	s0 =	sadd.s32 $0x1, s29  }
0x11f: {  	p0 =	sne.s32 s0, s31  }
.Ltmp1:
0x120: {  	_ = 	snop;
	(pc) =	sbr.rel @p0 .LBB2_1-.Ltmp1, $3  }
0x121: {  	_ =	sdelay $0x1  }
0x122: {  	[sflag:s21] =	ssyncset.done $0x0  }
0x123: {  	[sflag:s21] =	ssyncadd.s32 $0xFFFFFD88  }
0x124: {  	_ =	sfence.sel $0x180000  }
0x125: {  	[bflag:$0x0] =	sbarrier.arrive $0xFFFF  }
0x126: {  	_ =	strace $0x90000047  }
0x127: {  	s0 =	stileid.u32;
	[bflag:$0x2] =	sbarrier.arrive $0xFFFF  }
0x128: {  	p0 =	sne.s32 s0, $0x0;
	s0 =	rddreg [dreg:$0x5]  }
0x129: {  	s0 =	sadd.s32 @!p0 $0x100000, s0  }
0x12a: {  	[sflag:s0] =	ssyncadd.tile.s32 @!p0 $0x1;
	_ =	shalt  }
.Lfunc_end2:
_tile_overlayer_lowered:
.L_overlay_start_2:
0x12b: {  	(tag) =	ssettag $0x2  }
0x12c: {  	s0 =	rddreg [dreg:$0x0];
	s2 =	stileid.u32  }
0x12d: {  	s1 =	rddreg [dreg:$0x1];
	p0 =	sne.s32 s2, $0x0  }
0x12e: {  	s3 =	rddreg [dreg:$0x2];
	[bflag:$0x3] =	sbarrier.arrive $0xFFFF;
	s2 =	simm.s32 @!p0 $0x1C0D  }
0x12f: {  	[timem:s3], [sflag:s2] =	dma.local @!p0 [hbm:s0], s1  }
0x130: {  	s0 =	simm.s32 @!p0 $0xD  }
0x131: {  	_ =	swait.ge @!p0 [sflag:s0], s1  }
0x132: {  	s1 =	ssub.s32 @!p0 $0x0, s1;
	[sflag:s0] =	ssyncset.done @!p0 $0x0  }
0x133: {  	[sflag:s0] =	ssyncadd.s32 @!p0 s1  }
0x134: {  	[bflag:$0x3] =	sbarrier.arrive $0xFFFF  }
0x135: {  	_ =	shalt  }

</sc_bundles>
